<compile_context>
chip_gen: v7x
topology: tpu7x:2x2x1
jax: 0.10.2.dev20260603
libtpu: 0.0.44.dev20260713+nightly
codegen_flags: <defaults>
</compile_context>

<pallas_src>
import functools

import jax
import jax.numpy as jnp
from jax import lax
from jax.experimental import pallas as pl
from jax.experimental.pallas import tpu as pltpu
from jax.experimental.pallas import tpu_sc as plsc

N_NODES = 10000
N_EDGES = 320000
D = 128
IN_FEAT = 9
NUM_GRAPHS = 16
NUM_CONVS = 3

NC = 2
NS = 16
NW = NC * NS
CH = 128
NCH = 79
E_PAD = NW * NCH * CH
EPT = N_EDGES // NW
PAD_PT = NCH * CH - EPT
JUNK = 128
ACC_ROWS = N_NODES + JUNK
JPT = JUNK // NS

STRIPE = 624
TAIL = N_NODES - NS * STRIPE


def _sc_segment_sum(h, src_r, dst_r, d):
    mesh = plsc.VectorSubcoreMesh(core_axis_name="c", subcore_axis_name="s")

    @functools.partial(
        pl.kernel,
        mesh=mesh,
        out_type=jax.ShapeDtypeStruct((NC, N_NODES, d), jnp.float32),
        scratch_types=[
            pltpu.VMEM((NCH, CH), jnp.int32),
            pltpu.VMEM((NCH, CH), jnp.int32),
            pltpu.VMEM((CH, d), jnp.float32),
            pltpu.VMEM_SHARED((ACC_ROWS, d), jnp.float32),
            pltpu.SemaphoreType.DMA,
        ],
    )
    def k(h_hbm, src_hbm, dst_hbm, out_hbm, src_v, dst_v, rows_v, acc, sem):
        cid = lax.axis_index("c")
        sid = lax.axis_index("s")
        wid = cid * NS + sid
        pltpu.sync_copy(src_hbm.at[wid], src_v)
        pltpu.sync_copy(dst_hbm.at[wid], dst_v)
        @pl.loop(0, JPT)
        def _(r):
            @pl.loop(0, d, step=16)
            def _(c):
                rows_v[r, pl.ds(c, 16)] = jnp.zeros((16,), jnp.float32)

        pltpu.sync_copy(rows_v.at[pl.ds(0, JPT)],
                        acc.at[pl.ds(N_NODES + sid * JPT, JPT)])
        r0 = sid * STRIPE
        pltpu.sync_copy(h_hbm.at[pl.ds(r0, STRIPE)],
                        acc.at[pl.ds(r0, STRIPE)])

        @pl.when(sid == NS - 1)
        def _():
            pltpu.sync_copy(h_hbm.at[pl.ds(NS * STRIPE, TAIL)],
                            acc.at[pl.ds(NS * STRIPE, TAIL)])

        plsc.subcore_barrier()

        @pl.loop(0, NCH)
        def _(j):
            pltpu.async_copy(h_hbm.at[src_v.at[j]], rows_v, sem).wait()
            pltpu.sync_copy(rows_v, acc.at[dst_v.at[j]], add=True)

        plsc.subcore_barrier()
        pltpu.sync_copy(acc.at[pl.ds(r0, STRIPE)],
                        out_hbm.at[cid].at[pl.ds(r0, STRIPE)])

        @pl.when(sid == NS - 1)
        def _():
            pltpu.sync_copy(acc.at[pl.ds(NS * STRIPE, TAIL)],
                            out_hbm.at[cid].at[pl.ds(NS * STRIPE, TAIL)])

    return k(h, src_r, dst_r)


def _mlp_tc(p, h, W1, b1, W2, b2, d):
    BLK = 2000
    grid = (N_NODES // BLK,)

    def body(p_ref, h_ref, W1_ref, b1_ref, W2_ref, b2_ref, o_ref):
        s = p_ref[0] + p_ref[1] - h_ref[...]
        hid = jnp.dot(s, W1_ref[...], preferred_element_type=jnp.float32)
        hid = jnp.maximum(hid + b1_ref[...], 0.0)
        o_ref[...] = (
            jnp.dot(hid, W2_ref[...], preferred_element_type=jnp.float32)
            + b2_ref[...]
        )

    return pl.pallas_call(
        body,
        grid=grid,
        in_specs=[
            pl.BlockSpec((NC, BLK, d), lambda i: (0, i, 0)),
            pl.BlockSpec((BLK, d), lambda i: (i, 0)),
            pl.BlockSpec((d, D), lambda i: (0, 0)),
            pl.BlockSpec((1, D), lambda i: (0, 0)),
            pl.BlockSpec((D, D), lambda i: (0, 0)),
            pl.BlockSpec((1, D), lambda i: (0, 0)),
        ],
        out_specs=pl.BlockSpec((BLK, D), lambda i: (i, 0)),
        out_shape=jax.ShapeDtypeStruct((N_NODES, D), jnp.float32),
    )(p, h, W1[:d], b1, W2, b2)


def _pool_post_tc(h, batch3, pW1, pb1, pW2, pb2):
    BLK = 2000
    grid = (N_NODES // BLK,)

    def body(h_ref, b_ref, W1_ref, b1_ref, W2_ref, b2_ref, o_ref, sums, cnts):
        i = pl.program_id(0)

        @pl.when(i == 0)
        def _():
            sums[...] = jnp.zeros_like(sums)
            cnts[...] = jnp.zeros_like(cnts)

        gids = lax.broadcasted_iota(jnp.int32, (NUM_GRAPHS, BLK), 0)
        onehot = (gids == b_ref[0]).astype(jnp.float32)
        sums[...] += jnp.dot(onehot, h_ref[...],
                             preferred_element_type=jnp.float32)
        cnts[...] += jnp.sum(onehot, axis=1, keepdims=True)

        @pl.when(i == grid[0] - 1)
        def _():
            s = sums[...]
            m = s / jnp.maximum(cnts[...], 1.0)
            hid = (
                jnp.dot(s, W1_ref[0:D, :], preferred_element_type=jnp.float32)
                + jnp.dot(m, W1_ref[D:2 * D, :],
                          preferred_element_type=jnp.float32)
                + b1_ref[...]
            )
            hid = jnp.maximum(hid, 0.0)
            o_ref[...] = (
                jnp.dot(hid, W2_ref[...], preferred_element_type=jnp.float32)
                + b2_ref[...]
            )

    return pl.pallas_call(
        body,
        grid=grid,
        in_specs=[
            pl.BlockSpec((BLK, D), lambda i: (i, 0)),
            pl.BlockSpec((1, 1, BLK), lambda i: (i, 0, 0)),
            pl.BlockSpec((2 * D, D), lambda i: (0, 0)),
            pl.BlockSpec((1, D), lambda i: (0, 0)),
            pl.BlockSpec((D, D), lambda i: (0, 0)),
            pl.BlockSpec((1, D), lambda i: (0, 0)),
        ],
        out_specs=pl.BlockSpec((NUM_GRAPHS, D), lambda i: (0, 0)),
        out_shape=jax.ShapeDtypeStruct((NUM_GRAPHS, D), jnp.float32),
        scratch_shapes=[
            pltpu.VMEM((NUM_GRAPHS, D), jnp.float32),
            pltpu.VMEM((NUM_GRAPHS, 1), jnp.float32),
        ],
    )(h, batch3, pW1, pb1, pW2, pb2)


def kernel(x, edge_index, batch, gin_W1, gin_b1, gin_W2, gin_b2,
           post_W1, post_b1, post_W2, post_b2):
    src = edge_index[0].reshape(NW, EPT)
    dst = edge_index[1].reshape(NW, EPT)
    dummy = jnp.broadcast_to(
        N_NODES + jnp.arange(PAD_PT, dtype=jnp.int32), (NW, PAD_PT))
    src_r = jnp.concatenate(
        [src, jnp.zeros((NW, PAD_PT), jnp.int32)], axis=1
    ).reshape(NW, NCH, CH)
    dst_r = jnp.concatenate(
        [dst, dummy], axis=1).reshape(NW, NCH, CH)

    b1 = gin_b1.reshape(1, D)
    b2 = gin_b2.reshape(1, D)

    h = jnp.pad(x, ((0, 0), (0, D - IN_FEAT)))
    for _ in range(NUM_CONVS):
        p = _sc_segment_sum(h, src_r, dst_r, D)
        h = _mlp_tc(p, h, gin_W1, b1, gin_W2, b2, D)

    batch3 = batch.reshape(N_NODES // 2000, 1, 2000)
    return _pool_post_tc(h, batch3, post_W1, post_b1.reshape(1, D),
                         post_W2, post_b2.reshape(1, D))

# --- scband reference (transcript-rebuilt; emitter-appended) ---
"""Pipeline reference for scband-message-passing-54022098649624 (READ-ONLY COPY).

The authoritative reference and input builder live on the scoring server;
editing this copy changes nothing except your own understanding.
"""

import jax, jax.numpy as jnp
import numpy as np

N_NODES = 10000
N_EDGES = 320000
EMB = 128
HID = 128
NUM_CONVS = 3
NUM_GRAPHS = 16
IN_FEAT = 9


def _mlp(h, W1, b1, W2, b2):
    h = jnp.maximum(h @ W1 + b1, 0.0)
    return h @ W2 + b2


def setup_inputs(seed: int = 0) -> dict:
    key = jax.random.key(seed)
    ks = jax.random.split(key, 12)
    x = jax.random.normal(ks[0], (N_NODES, IN_FEAT), dtype=jnp.float32)
    edge_index = jax.random.randint(ks[1], (2, N_EDGES), 0, N_NODES, dtype=jnp.int64 if jax.config.jax_enable_x64 else jnp.int32).astype(jnp.int32)
    batch = jnp.sort(jax.random.randint(ks[2], (N_NODES,), 0, NUM_GRAPHS)).astype(jnp.int32)
    s1 = 1.0 / np.sqrt(EMB)
    s2 = 1.0 / np.sqrt(HID)
    s3 = 1.0 / np.sqrt(2 * EMB)
    gin_W1 = jax.random.uniform(ks[3], (EMB, HID), jnp.float32, -s1, s1)
    gin_b1 = jax.random.uniform(ks[4], (HID,), jnp.float32, -s1, s1)
    gin_W2 = jax.random.uniform(ks[5], (HID, EMB), jnp.float32, -s2, s2)
    gin_b2 = jax.random.uniform(ks[6], (EMB,), jnp.float32, -s2, s2)
    post_W1 = jax.random.uniform(ks[7], (2 * EMB, HID), jnp.float32, -s3, s3)
    post_b1 = jax.random.uniform(ks[8], (HID,), jnp.float32, -s3, s3)
    post_W2 = jax.random.uniform(ks[9], (HID, EMB), jnp.float32, -s2, s2)
    post_b2 = jax.random.uniform(ks[10], (EMB,), jnp.float32, -s2, s2)
    return {"x": x, "edge_index": edge_index, "batch": batch,
            "gin_W1": gin_W1, "gin_b1": gin_b1, "gin_W2": gin_W2, "gin_b2": gin_b2,
            "post_W1": post_W1, "post_b1": post_b1, "post_W2": post_W2, "post_b2": post_b2}


def reference(x, edge_index, batch, gin_W1, gin_b1, gin_W2, gin_b2, post_W1, post_b1, post_W2, post_b2):
    # ZeroPad2d((0, EMB-9, 0, 0)): pad feature dim from 9 -> EMB
    h = jnp.pad(x, ((0, 0), (0, EMB - IN_FEAT)))
    src = edge_index[0]
    dst = edge_index[1]
    for _ in range(NUM_CONVS):
        # GINConv (eps=0): MLP(x + sum-aggregate of neighbor messages)
        agg = jax.ops.segment_sum(h[src], dst, num_segments=N_NODES)
        h = _mlp(h + agg, gin_W1, gin_b1, gin_W2, gin_b2)
    # global add / mean pool per graph
    sum_pool = jax.ops.segment_sum(h, batch, num_segments=NUM_GRAPHS)
    counts = jax.ops.segment_sum(jnp.ones((N_NODES,), dtype=jnp.float32), batch, num_segments=NUM_GRAPHS)
    mean_pool = sum_pool / jnp.maximum(counts, 1.0)[:, None]
    pooled = jnp.concatenate([sum_pool, mean_pool], axis=1)
    return _mlp(pooled, post_W1, post_b1, post_W2, post_b2)

if __name__ == "__main__":
    import jax
    _d = setup_inputs()
    print(jax.jit(kernel)(*tuple(_d.values())))

</pallas_src>

<mosaic_0001>
#map = affine_map<(d0, d1) -> (0, 0)>
#map1 = affine_map<(d0, d1) -> (0, 0, 0)>
module attributes {stable_mosaic.version = 14 : i64} {
  func.func @k(%arg0: i32, %arg1: i32, %arg2: memref<10000x128xf32, #tpu.memory_space<hbm>>, %arg3: memref<32x79x128xi32, #tpu.memory_space<hbm>>, %arg4: memref<32x79x128xi32, #tpu.memory_space<hbm>>, %arg5: memref<2x10000x128xf32, #tpu.memory_space<hbm>>, %arg6: memref<79x128xi32, #tpu.memory_space<vmem>>, %arg7: memref<79x128xi32, #tpu.memory_space<vmem>>, %arg8: memref<128x128xf32, #tpu.memory_space<vmem>>, %arg9: memref<10128x128xf32, #tpu.memory_space<vmem_shared>>, %arg10: memref<!tpu.dma_semaphore, #tpu.memory_space<semaphore_mem>>) attributes {dimension_semantics = [#tpu.dimension_semantics<core_parallel>, #tpu.dimension_semantics<subcore_parallel>], iteration_bounds = array<i64: 2, 16>, scalar_prefetch = 0 : i64, scratch_operands = 5 : i64, tpu.core_type = #tpu.core_type<sc_vector_subcore>, window_params = [{transform_indices = #map}, {transform_indices = #map1}, {transform_indices = #map1}, {transform_indices = #map1}]} {
    %mul3A = arith.constant 16 : i32
    %mul3A_0 = arith.muli %arg0, %mul3A : i32
    %add3A = arith.addi %mul3A_0, %arg1 : i32
    "tpu.region"() ({
      %run_scoped3A = tpu.sem_alloc : memref<!tpu.dma_semaphore, #tpu.memory_space<semaphore_mem>>
      %dma_start3A = arith.constant 0 : i32
      %dma_start3A_24 = arith.constant 0 : i32
      %dma_start3A_25 = tpu.memref_slice %arg3[%add3A, %dma_start3A, %dma_start3A_24] : memref<32x79x128xi32, #tpu.memory_space<hbm>> -> memref<1x79x128xi32, #tpu.memory_space<hbm>>
      %dma_start3A_26 = tpu.memref_squeeze %dma_start3A_25 : memref<1x79x128xi32, #tpu.memory_space<hbm>> -> memref<79x128xi32, #tpu.memory_space<hbm>>
      %dma_start3A_27 = arith.constant 0 : i32
      %dma_start3A_28 = arith.constant 0 : i32
      %dma_start3A_29 = tpu.memref_slice %arg3[%add3A, %dma_start3A_27, %dma_start3A_28] : memref<32x79x128xi32, #tpu.memory_space<hbm>> -> memref<1x79x128xi32, #tpu.memory_space<hbm>>
      %dma_start3A_30 = tpu.memref_squeeze %dma_start3A_29 : memref<1x79x128xi32, #tpu.memory_space<hbm>> -> memref<79x128xi32, #tpu.memory_space<hbm>>
      tpu.enqueue_dma source(%dma_start3A_30 : memref<79x128xi32, #tpu.memory_space<hbm>>) target(%arg6 : memref<79x128xi32, #tpu.memory_space<vmem>>) target_semaphore(%run_scoped3A : memref<!tpu.dma_semaphore, #tpu.memory_space<semaphore_mem>>)
      %dma_wait3A = arith.constant 0 : i32
      %dma_wait3A_31 = arith.constant 0 : i32
      %dma_wait3A_32 = tpu.memref_slice %arg3[%add3A, %dma_wait3A, %dma_wait3A_31] : memref<32x79x128xi32, #tpu.memory_space<hbm>> -> memref<1x79x128xi32, #tpu.memory_space<hbm>>
      %dma_wait3A_33 = tpu.memref_squeeze %dma_wait3A_32 : memref<1x79x128xi32, #tpu.memory_space<hbm>> -> memref<79x128xi32, #tpu.memory_space<hbm>>
      %dma_wait3A_34 = arith.constant 0 : i32
      %dma_wait3A_35 = arith.constant 0 : i32
      %dma_wait3A_36 = tpu.memref_slice %arg3[%add3A, %dma_wait3A_34, %dma_wait3A_35] : memref<32x79x128xi32, #tpu.memory_space<hbm>> -> memref<1x79x128xi32, #tpu.memory_space<hbm>>
      %dma_wait3A_37 = tpu.memref_squeeze %dma_wait3A_36 : memref<1x79x128xi32, #tpu.memory_space<hbm>> -> memref<79x128xi32, #tpu.memory_space<hbm>>
      tpu.wait_dma2 semaphore(%run_scoped3A : memref<!tpu.dma_semaphore, #tpu.memory_space<semaphore_mem>>) src(%dma_wait3A_37 : memref<79x128xi32, #tpu.memory_space<hbm>>) dst(%arg6 : memref<79x128xi32, #tpu.memory_space<vmem>>)
      tpu.yield
    }) : () -> ()
    "tpu.region"() ({
      %run_scoped3A = tpu.sem_alloc : memref<!tpu.dma_semaphore, #tpu.memory_space<semaphore_mem>>
      %dma_start3A = arith.constant 0 : i32
      %dma_start3A_24 = arith.constant 0 : i32
      %dma_start3A_25 = tpu.memref_slice %arg4[%add3A, %dma_start3A, %dma_start3A_24] : memref<32x79x128xi32, #tpu.memory_space<hbm>> -> memref<1x79x128xi32, #tpu.memory_space<hbm>>
      %dma_start3A_26 = tpu.memref_squeeze %dma_start3A_25 : memref<1x79x128xi32, #tpu.memory_space<hbm>> -> memref<79x128xi32, #tpu.memory_space<hbm>>
      %dma_start3A_27 = arith.constant 0 : i32
      %dma_start3A_28 = arith.constant 0 : i32
      %dma_start3A_29 = tpu.memref_slice %arg4[%add3A, %dma_start3A_27, %dma_start3A_28] : memref<32x79x128xi32, #tpu.memory_space<hbm>> -> memref<1x79x128xi32, #tpu.memory_space<hbm>>
      %dma_start3A_30 = tpu.memref_squeeze %dma_start3A_29 : memref<1x79x128xi32, #tpu.memory_space<hbm>> -> memref<79x128xi32, #tpu.memory_space<hbm>>
      tpu.enqueue_dma source(%dma_start3A_30 : memref<79x128xi32, #tpu.memory_space<hbm>>) target(%arg7 : memref<79x128xi32, #tpu.memory_space<vmem>>) target_semaphore(%run_scoped3A : memref<!tpu.dma_semaphore, #tpu.memory_space<semaphore_mem>>)
      %dma_wait3A = arith.constant 0 : i32
      %dma_wait3A_31 = arith.constant 0 : i32
      %dma_wait3A_32 = tpu.memref_slice %arg4[%add3A, %dma_wait3A, %dma_wait3A_31] : memref<32x79x128xi32, #tpu.memory_space<hbm>> -> memref<1x79x128xi32, #tpu.memory_space<hbm>>
      %dma_wait3A_33 = tpu.memref_squeeze %dma_wait3A_32 : memref<1x79x128xi32, #tpu.memory_space<hbm>> -> memref<79x128xi32, #tpu.memory_space<hbm>>
      %dma_wait3A_34 = arith.constant 0 : i32
      %dma_wait3A_35 = arith.constant 0 : i32
      %dma_wait3A_36 = tpu.memref_slice %arg4[%add3A, %dma_wait3A_34, %dma_wait3A_35] : memref<32x79x128xi32, #tpu.memory_space<hbm>> -> memref<1x79x128xi32, #tpu.memory_space<hbm>>
      %dma_wait3A_37 = tpu.memref_squeeze %dma_wait3A_36 : memref<1x79x128xi32, #tpu.memory_space<hbm>> -> memref<79x128xi32, #tpu.memory_space<hbm>>
      tpu.wait_dma2 semaphore(%run_scoped3A : memref<!tpu.dma_semaphore, #tpu.memory_space<semaphore_mem>>) src(%dma_wait3A_37 : memref<79x128xi32, #tpu.memory_space<hbm>>) dst(%arg7 : memref<79x128xi32, #tpu.memory_space<vmem>>)
      tpu.yield
    }) : () -> ()
    %scan3A = arith.constant 0 : i32
    %scan3A_1 = arith.constant 8 : i32
    %scan3A_2 = arith.addi %scan3A, %scan3A_1 : i32
    %scan3A_3 = arith.constant 1 : i32
    scf.for %scan3A_24 = %scan3A to %scan3A_2 step %scan3A_3  : i32 {
      %mul3A_25 = arith.constant 1 : i32
      %mul3A_26 = arith.muli %scan3A_24, %mul3A_25 : i32
      %add3A_27 = arith.constant 0 : i32
      %add3A_28 = arith.addi %add3A_27, %mul3A_26 : i32
      %scan3A_29 = arith.constant 0 : i32
      %scan3A_30 = arith.constant 8 : i32
      %scan3A_31 = arith.addi %scan3A_29, %scan3A_30 : i32
      %scan3A_32 = arith.constant 1 : i32
      scf.for %scan3A_34 = %scan3A_29 to %scan3A_31 step %scan3A_32  : i32 {
        %mul3A_35 = arith.constant 16 : i32
        %mul3A_36 = arith.muli %scan3A_34, %mul3A_35 : i32
        %add3A_37 = arith.constant 0 : i32
        %add3A_38 = arith.addi %add3A_37, %mul3A_36 : i32
        %broadcast_in_dim3A = arith.constant 0.000000e+00 : f32
        %broadcast_in_dim3A_39 = vector.broadcast %broadcast_in_dim3A : f32 to vector<16xf32>
        %swap3A = arith.index_cast %add3A_28 : i32 to index
        %swap3A_40 = arith.index_cast %add3A_38 : i32 to index
        %swap3A_41 = tpu.vector_load %arg8[%swap3A, %swap3A_40] {strides = array<i32>} : memref<128x128xf32, #tpu.memory_space<vmem>>, vector<1x16xf32>,
        %swap3A_42 = vector.shape_cast %swap3A_41 : vector<1x16xf32> to vector<16xf32>
        %swap3A_43 = vector.shape_cast %broadcast_in_dim3A_39 : vector<16xf32> to vector<1x16xf32>
        tpu.vector_store %arg8[%swap3A, %swap3A_40], %swap3A_43 {strides = array<i32>} : memref<128x128xf32, #tpu.memory_space<vmem>>, vector<1x16xf32>,
      }
      %scan3A_33 = arith.constant 8 : i32
    }
    %scan3A_4 = arith.constant 8 : i32
    %mul3A_5 = arith.constant 8 : i32
    %mul3A_6 = arith.muli %arg1, %mul3A_5 : i32
    %add3A_7 = arith.constant 10000 : i32
    %add3A_8 = arith.addi %add3A_7, %mul3A_6 : i32
    "tpu.region"() ({
      %run_scoped3A = tpu.sem_alloc : memref<!tpu.dma_semaphore, #tpu.memory_space<semaphore_mem>>
      %dma_start3A = arith.constant 0 : i32
      %dma_start3A_24 = arith.constant 0 : i32
      %dma_start3A_25 = tpu.memref_slice %arg8[%dma_start3A, %dma_start3A_24] : memref<128x128xf32, #tpu.memory_space<vmem>> -> memref<8x128xf32, #tpu.memory_space<vmem>>
      %dma_start3A_26 = arith.constant 0 : i32
      %dma_start3A_27 = tpu.memref_slice %arg9[%add3A_8, %dma_start3A_26] : memref<10128x128xf32, #tpu.memory_space<vmem_shared>> -> memref<8x128xf32, #tpu.memory_space<vmem_shared>>
      %dma_start3A_28 = arith.constant 0 : i32
      %dma_start3A_29 = tpu.memref_slice %arg9[%add3A_8, %dma_start3A_28] : memref<10128x128xf32, #tpu.memory_space<vmem_shared>> -> memref<8x128xf32, #tpu.memory_space<vmem_shared>>
      %dma_start3A_30 = arith.constant 0 : i32
      %dma_start3A_31 = arith.constant 0 : i32
      %dma_start3A_32 = tpu.memref_slice %arg8[%dma_start3A_30, %dma_start3A_31] : memref<128x128xf32, #tpu.memory_space<vmem>> -> memref<8x128xf32, #tpu.memory_space<vmem>>
      tpu.enqueue_dma source(%dma_start3A_32 : memref<8x128xf32, #tpu.memory_space<vmem>>) target(%dma_start3A_29 : memref<8x128xf32, #tpu.memory_space<vmem_shared>>) target_semaphore(%run_scoped3A : memref<!tpu.dma_semaphore, #tpu.memory_space<semaphore_mem>>)
      %dma_wait3A = arith.constant 0 : i32
      %dma_wait3A_33 = arith.constant 0 : i32
      %dma_wait3A_34 = tpu.memref_slice %arg8[%dma_wait3A, %dma_wait3A_33] : memref<128x128xf32, #tpu.memory_space<vmem>> -> memref<8x128xf32, #tpu.memory_space<vmem>>
      %dma_wait3A_35 = arith.constant 0 : i32
      %dma_wait3A_36 = tpu.memref_slice %arg9[%add3A_8, %dma_wait3A_35] : memref<10128x128xf32, #tpu.memory_space<vmem_shared>> -> memref<8x128xf32, #tpu.memory_space<vmem_shared>>
      %dma_wait3A_37 = arith.constant 0 : i32
      %dma_wait3A_38 = tpu.memref_slice %arg9[%add3A_8, %dma_wait3A_37] : memref<10128x128xf32, #tpu.memory_space<vmem_shared>> -> memref<8x128xf32, #tpu.memory_space<vmem_shared>>
      %dma_wait3A_39 = arith.constant 0 : i32
      %dma_wait3A_40 = arith.constant 0 : i32
      %dma_wait3A_41 = tpu.memref_slice %arg8[%dma_wait3A_39, %dma_wait3A_40] : memref<128x128xf32, #tpu.memory_space<vmem>> -> memref<8x128xf32, #tpu.memory_space<vmem>>
      tpu.wait_dma2 semaphore(%run_scoped3A : memref<!tpu.dma_semaphore, #tpu.memory_space<semaphore_mem>>) src(%dma_wait3A_41 : memref<8x128xf32, #tpu.memory_space<vmem>>) dst(%dma_wait3A_38 : memref<8x128xf32, #tpu.memory_space<vmem_shared>>)
      tpu.yield
    }) : () -> ()
    %mul3A_9 = arith.constant 624 : i32
    %mul3A_10 = arith.muli %arg1, %mul3A_9 : i32
    "tpu.region"() ({
      %run_scoped3A = tpu.sem_alloc : memref<!tpu.dma_semaphore, #tpu.memory_space<semaphore_mem>>
      %dma_start3A = arith.constant 0 : i32
      %dma_start3A_24 = tpu.memref_slice %arg9[%mul3A_10, %dma_start3A] : memref<10128x128xf32, #tpu.memory_space<vmem_shared>> -> memref<624x128xf32, #tpu.memory_space<vmem_shared>>
      %dma_start3A_25 = arith.constant 0 : i32
      %dma_start3A_26 = tpu.memref_slice %arg2[%mul3A_10, %dma_start3A_25] : memref<10000x128xf32, #tpu.memory_space<hbm>> -> memref<624x128xf32, #tpu.memory_space<hbm>>
      tpu.enqueue_dma source(%dma_start3A_26 : memref<624x128xf32, #tpu.memory_space<hbm>>) target(%dma_start3A_24 : memref<624x128xf32, #tpu.memory_space<vmem_shared>>) target_semaphore(%run_scoped3A : memref<!tpu.dma_semaphore, #tpu.memory_space<semaphore_mem>>)
      %dma_wait3A = arith.constant 0 : i32
      %dma_wait3A_27 = tpu.memref_slice %arg9[%mul3A_10, %dma_wait3A] : memref<10128x128xf32, #tpu.memory_space<vmem_shared>> -> memref<624x128xf32, #tpu.memory_space<vmem_shared>>
      %dma_wait3A_28 = arith.constant 0 : i32
      %dma_wait3A_29 = tpu.memref_slice %arg2[%mul3A_10, %dma_wait3A_28] : memref<10000x128xf32, #tpu.memory_space<hbm>> -> memref<624x128xf32, #tpu.memory_space<hbm>>
      tpu.wait_dma2 semaphore(%run_scoped3A : memref<!tpu.dma_semaphore, #tpu.memory_space<semaphore_mem>>) src(%dma_wait3A_29 : memref<624x128xf32, #tpu.memory_space<hbm>>) dst(%dma_wait3A_27 : memref<624x128xf32, #tpu.memory_space<vmem_shared>>)
      tpu.yield
    }) : () -> ()
    %eq3A = arith.constant 15 : i32
    %eq3A_11 = arith.cmpi eq, %arg1, %eq3A : i32
    %convert_element_type3A = arith.extui %eq3A_11 : i1 to i32
    %cond3A = arith.constant 0 : i32
    %cond3A_12 = arith.cmpi ne, %convert_element_type3A, %cond3A : i32
    scf.if %cond3A_12 {
      "tpu.region"() ({
        %run_scoped3A = tpu.sem_alloc : memref<!tpu.dma_semaphore, #tpu.memory_space<semaphore_mem>>
        %dma_start3A = arith.constant 9984 : i32
        %dma_start3A_24 = arith.constant 0 : i32
        %dma_start3A_25 = tpu.memref_slice %arg9[%dma_start3A, %dma_start3A_24] : memref<10128x128xf32, #tpu.memory_space<vmem_shared>> -> memref<16x128xf32, #tpu.memory_space<vmem_shared>>
        %dma_start3A_26 = arith.constant 9984 : i32
        %dma_start3A_27 = arith.constant 0 : i32
        %dma_start3A_28 = tpu.memref_slice %arg2[%dma_start3A_26, %dma_start3A_27] : memref<10000x128xf32, #tpu.memory_space<hbm>> -> memref<16x128xf32, #tpu.memory_space<hbm>>
        tpu.enqueue_dma source(%dma_start3A_28 : memref<16x128xf32, #tpu.memory_space<hbm>>) target(%dma_start3A_25 : memref<16x128xf32, #tpu.memory_space<vmem_shared>>) target_semaphore(%run_scoped3A : memref<!tpu.dma_semaphore, #tpu.memory_space<semaphore_mem>>)
        %dma_wait3A = arith.constant 9984 : i32
        %dma_wait3A_29 = arith.constant 0 : i32
        %dma_wait3A_30 = tpu.memref_slice %arg9[%dma_wait3A, %dma_wait3A_29] : memref<10128x128xf32, #tpu.memory_space<vmem_shared>> -> memref<16x128xf32, #tpu.memory_space<vmem_shared>>
        %dma_wait3A_31 = arith.constant 9984 : i32
        %dma_wait3A_32 = arith.constant 0 : i32
        %dma_wait3A_33 = tpu.memref_slice %arg2[%dma_wait3A_31, %dma_wait3A_32] : memref<10000x128xf32, #tpu.memory_space<hbm>> -> memref<16x128xf32, #tpu.memory_space<hbm>>
        tpu.wait_dma2 semaphore(%run_scoped3A : memref<!tpu.dma_semaphore, #tpu.memory_space<semaphore_mem>>) src(%dma_wait3A_33 : memref<16x128xf32, #tpu.memory_space<hbm>>) dst(%dma_wait3A_30 : memref<16x128xf32, #tpu.memory_space<vmem_shared>>)
        tpu.yield
      }) : () -> ()
    } else {
    }
    %barrier3A = arith.constant 0 : index
    tpu.barrier barrier_id(%barrier3A)
    %scan3A_13 = arith.constant 0 : i32
    %scan3A_14 = arith.constant 79 : i32
    %scan3A_15 = arith.addi %scan3A_13, %scan3A_14 : i32
    %scan3A_16 = arith.constant 1 : i32
    scf.for %scan3A_24 = %scan3A_13 to %scan3A_15 step %scan3A_16  : i32 {
      %mul3A_25 = arith.constant 1 : i32
      %mul3A_26 = arith.muli %scan3A_24, %mul3A_25 : i32
      %add3A_27 = arith.constant 0 : i32
      %add3A_28 = arith.addi %add3A_27, %mul3A_26 : i32
      %dma_start3A = arith.constant 0 : i32
      %dma_start3A_29 = tpu.memref_slice %arg6[%add3A_28, %dma_start3A] : memref<79x128xi32, #tpu.memory_space<vmem>> -> memref<1x128xi32, #tpu.memory_space<vmem>>
      %dma_start3A_30 = tpu.memref_squeeze %dma_start3A_29 : memref<1x128xi32, #tpu.memory_space<vmem>> -> memref<128xi32, #tpu.memory_space<vmem>>
      %dma_start3A_31 = arith.constant 0 : i32
      %dma_start3A_32 = arith.constant 0 : i32
      %dma_start3A_33 = tpu.memref_slice %arg2[%dma_start3A_31, %dma_start3A_32] : memref<10000x128xf32, #tpu.memory_space<hbm>> -> memref<10000x128xf32, #tpu.memory_space<hbm>>
      tpu.enqueue_indirect_dma source(%dma_start3A_33 : memref<10000x128xf32, #tpu.memory_space<hbm>>) target(%arg8 : memref<128x128xf32, #tpu.memory_space<vmem>>) offsets(%dma_start3A_30 : memref<128xi32, #tpu.memory_space<vmem>>) semaphore(%arg10 : memref<!tpu.dma_semaphore, #tpu.memory_space<semaphore_mem>>)
      %dma_wait3A = arith.constant 0 : i32
      %dma_wait3A_34 = tpu.memref_slice %arg6[%add3A_28, %dma_wait3A] : memref<79x128xi32, #tpu.memory_space<vmem>> -> memref<1x128xi32, #tpu.memory_space<vmem>>
      %dma_wait3A_35 = tpu.memref_squeeze %dma_wait3A_34 : memref<1x128xi32, #tpu.memory_space<vmem>> -> memref<128xi32, #tpu.memory_space<vmem>>
      %dma_wait3A_36 = arith.constant 0 : i32
      %dma_wait3A_37 = arith.constant 0 : i32
      %dma_wait3A_38 = tpu.memref_slice %arg2[%dma_wait3A_36, %dma_wait3A_37] : memref<10000x128xf32, #tpu.memory_space<hbm>> -> memref<10000x128xf32, #tpu.memory_space<hbm>>
      tpu.wait_indirect_dma semaphore(%arg10 : memref<!tpu.dma_semaphore, #tpu.memory_space<semaphore_mem>>) src(%dma_wait3A_38 : memref<10000x128xf32, #tpu.memory_space<hbm>>) dst(%arg8 : memref<128x128xf32, #tpu.memory_space<vmem>>)
      "tpu.region"() ({
        %run_scoped3A = tpu.sem_alloc : memref<!tpu.dma_semaphore, #tpu.memory_space<semaphore_mem>>
        %dma_start3A_39 = arith.constant 0 : i32
        %dma_start3A_40 = tpu.memref_slice %arg7[%add3A_28, %dma_start3A_39] : memref<79x128xi32, #tpu.memory_space<vmem>> -> memref<1x128xi32, #tpu.memory_space<vmem>>
        %dma_start3A_41 = tpu.memref_squeeze %dma_start3A_40 : memref<1x128xi32, #tpu.memory_space<vmem>> -> memref<128xi32, #tpu.memory_space<vmem>>
        %dma_start3A_42 = arith.constant 0 : i32
        %dma_start3A_43 = arith.constant 0 : i32
        %dma_start3A_44 = tpu.memref_slice %arg9[%dma_start3A_42, %dma_start3A_43] : memref<10128x128xf32, #tpu.memory_space<vmem_shared>> -> memref<10128x128xf32, #tpu.memory_space<vmem_shared>>
        tpu.enqueue_indirect_dma source(%arg8 : memref<128x128xf32, #tpu.memory_space<vmem>>) target(%dma_start3A_44 : memref<10128x128xf32, #tpu.memory_space<vmem_shared>>) offsets(%dma_start3A_41 : memref<128xi32, #tpu.memory_space<vmem>>) semaphore(%run_scoped3A : memref<!tpu.dma_semaphore, #tpu.memory_space<semaphore_mem>>) {add = true}
        %dma_wait3A_45 = arith.constant 0 : i32
        %dma_wait3A_46 = tpu.memref_slice %arg7[%add3A_28, %dma_wait3A_45] : memref<79x128xi32, #tpu.memory_space<vmem>> -> memref<1x128xi32, #tpu.memory_space<vmem>>
        %dma_wait3A_47 = tpu.memref_squeeze %dma_wait3A_46 : memref<1x128xi32, #tpu.memory_space<vmem>> -> memref<128xi32, #tpu.memory_space<vmem>>
        %dma_wait3A_48 = arith.constant 0 : i32
        %dma_wait3A_49 = arith.constant 0 : i32
        %dma_wait3A_50 = tpu.memref_slice %arg9[%dma_wait3A_48, %dma_wait3A_49] : memref<10128x128xf32, #tpu.memory_space<vmem_shared>> -> memref<10128x128xf32, #tpu.memory_space<vmem_shared>>
        tpu.wait_indirect_dma semaphore(%run_scoped3A : memref<!tpu.dma_semaphore, #tpu.memory_space<semaphore_mem>>) src(%arg8 : memref<128x128xf32, #tpu.memory_space<vmem>>) dst(%dma_wait3A_50 : memref<10128x128xf32, #tpu.memory_space<vmem_shared>>)
        tpu.yield
      }) : () -> ()
    }
    %scan3A_17 = arith.constant 79 : i32
    %barrier3A_18 = arith.constant 0 : index
    tpu.barrier barrier_id(%barrier3A_18)
    "tpu.region"() ({
      %run_scoped3A = tpu.sem_alloc : memref<!tpu.dma_semaphore, #tpu.memory_space<semaphore_mem>>
      %dma_start3A = arith.constant 0 : i32
      %dma_start3A_24 = arith.constant 0 : i32
      %dma_start3A_25 = tpu.memref_slice %arg5[%arg0, %dma_start3A, %dma_start3A_24] : memref<2x10000x128xf32, #tpu.memory_space<hbm>> -> memref<1x10000x128xf32, #tpu.memory_space<hbm>>
      %dma_start3A_26 = tpu.memref_squeeze %dma_start3A_25 : memref<1x10000x128xf32, #tpu.memory_space<hbm>> -> memref<10000x128xf32, #tpu.memory_space<hbm>>
      %dma_start3A_27 = arith.constant 0 : i32
      %dma_start3A_28 = tpu.memref_slice %dma_start3A_26[%mul3A_10, %dma_start3A_27] : memref<10000x128xf32, #tpu.memory_space<hbm>> -> memref<624x128xf32, #tpu.memory_space<hbm>>
      %dma_start3A_29 = arith.constant 0 : i32
      %dma_start3A_30 = tpu.memref_slice %arg9[%mul3A_10, %dma_start3A_29] : memref<10128x128xf32, #tpu.memory_space<vmem_shared>> -> memref<624x128xf32, #tpu.memory_space<vmem_shared>>
      tpu.enqueue_dma source(%dma_start3A_30 : memref<624x128xf32, #tpu.memory_space<vmem_shared>>) target(%dma_start3A_28 : memref<624x128xf32, #tpu.memory_space<hbm>>) target_semaphore(%run_scoped3A : memref<!tpu.dma_semaphore, #tpu.memory_space<semaphore_mem>>)
      %dma_wait3A = arith.constant 0 : i32
      %dma_wait3A_31 = arith.constant 0 : i32
      %dma_wait3A_32 = tpu.memref_slice %arg5[%arg0, %dma_wait3A, %dma_wait3A_31] : memref<2x10000x128xf32, #tpu.memory_space<hbm>> -> memref<1x10000x128xf32, #tpu.memory_space<hbm>>
      %dma_wait3A_33 = tpu.memref_squeeze %dma_wait3A_32 : memref<1x10000x128xf32, #tpu.memory_space<hbm>> -> memref<10000x128xf32, #tpu.memory_space<hbm>>
      %dma_wait3A_34 = arith.constant 0 : i32
      %dma_wait3A_35 = tpu.memref_slice %dma_wait3A_33[%mul3A_10, %dma_wait3A_34] : memref<10000x128xf32, #tpu.memory_space<hbm>> -> memref<624x128xf32, #tpu.memory_space<hbm>>
      %dma_wait3A_36 = arith.constant 0 : i32
      %dma_wait3A_37 = tpu.memref_slice %arg9[%mul3A_10, %dma_wait3A_36] : memref<10128x128xf32, #tpu.memory_space<vmem_shared>> -> memref<624x128xf32, #tpu.memory_space<vmem_shared>>
      tpu.wait_dma2 semaphore(%run_scoped3A : memref<!tpu.dma_semaphore, #tpu.memory_space<semaphore_mem>>) src(%dma_wait3A_37 : memref<624x128xf32, #tpu.memory_space<vmem_shared>>) dst(%dma_wait3A_35 : memref<624x128xf32, #tpu.memory_space<hbm>>)
      tpu.yield
    }) : () -> ()
    %eq3A_19 = arith.constant 15 : i32
    %eq3A_20 = arith.cmpi eq, %arg1, %eq3A_19 : i32
    %convert_element_type3A_21 = arith.extui %eq3A_20 : i1 to i32
    %cond3A_22 = arith.constant 0 : i32
    %cond3A_23 = arith.cmpi ne, %convert_element_type3A_21, %cond3A_22 : i32
    scf.if %cond3A_23 {
      "tpu.region"() ({
        %run_scoped3A = tpu.sem_alloc : memref<!tpu.dma_semaphore, #tpu.memory_space<semaphore_mem>>
        %dma_start3A = arith.constant 0 : i32
        %dma_start3A_24 = arith.constant 0 : i32
        %dma_start3A_25 = tpu.memref_slice %arg5[%arg0, %dma_start3A, %dma_start3A_24] : memref<2x10000x128xf32, #tpu.memory_space<hbm>> -> memref<1x10000x128xf32, #tpu.memory_space<hbm>>
        %dma_start3A_26 = tpu.memref_squeeze %dma_start3A_25 : memref<1x10000x128xf32, #tpu.memory_space<hbm>> -> memref<10000x128xf32, #tpu.memory_space<hbm>>
        %dma_start3A_27 = arith.constant 9984 : i32
        %dma_start3A_28 = arith.constant 0 : i32
        %dma_start3A_29 = tpu.memref_slice %dma_start3A_26[%dma_start3A_27, %dma_start3A_28] : memref<10000x128xf32, #tpu.memory_space<hbm>> -> memref<16x128xf32, #tpu.memory_space<hbm>>
        %dma_start3A_30 = arith.constant 9984 : i32
        %dma_start3A_31 = arith.constant 0 : i32
        %dma_start3A_32 = tpu.memref_slice %arg9[%dma_start3A_30, %dma_start3A_31] : memref<10128x128xf32, #tpu.memory_space<vmem_shared>> -> memref<16x128xf32, #tpu.memory_space<vmem_shared>>
        tpu.enqueue_dma source(%dma_start3A_32 : memref<16x128xf32, #tpu.memory_space<vmem_shared>>) target(%dma_start3A_29 : memref<16x128xf32, #tpu.memory_space<hbm>>) target_semaphore(%run_scoped3A : memref<!tpu.dma_semaphore, #tpu.memory_space<semaphore_mem>>)
        %dma_wait3A = arith.constant 0 : i32
        %dma_wait3A_33 = arith.constant 0 : i32
        %dma_wait3A_34 = tpu.memref_slice %arg5[%arg0, %dma_wait3A, %dma_wait3A_33] : memref<2x10000x128xf32, #tpu.memory_space<hbm>> -> memref<1x10000x128xf32, #tpu.memory_space<hbm>>
        %dma_wait3A_35 = tpu.memref_squeeze %dma_wait3A_34 : memref<1x10000x128xf32, #tpu.memory_space<hbm>> -> memref<10000x128xf32, #tpu.memory_space<hbm>>
        %dma_wait3A_36 = arith.constant 9984 : i32
        %dma_wait3A_37 = arith.constant 0 : i32
        %dma_wait3A_38 = tpu.memref_slice %dma_wait3A_35[%dma_wait3A_36, %dma_wait3A_37] : memref<10000x128xf32, #tpu.memory_space<hbm>> -> memref<16x128xf32, #tpu.memory_space<hbm>>
        %dma_wait3A_39 = arith.constant 9984 : i32
        %dma_wait3A_40 = arith.constant 0 : i32
        %dma_wait3A_41 = tpu.memref_slice %arg9[%dma_wait3A_39, %dma_wait3A_40] : memref<10128x128xf32, #tpu.memory_space<vmem_shared>> -> memref<16x128xf32, #tpu.memory_space<vmem_shared>>
        tpu.wait_dma2 semaphore(%run_scoped3A : memref<!tpu.dma_semaphore, #tpu.memory_space<semaphore_mem>>) src(%dma_wait3A_41 : memref<16x128xf32, #tpu.memory_space<vmem_shared>>) dst(%dma_wait3A_38 : memref<16x128xf32, #tpu.memory_space<hbm>>)
        tpu.yield
      }) : () -> ()
    } else {
    }
    return
  }
}

#map = affine_map<(d0, d1) -> (0, 0)>
#map1 = affine_map<(d0, d1) -> (0, 0, 0)>
module attributes {stable_mosaic.version = 14 : i64} {
  func.func @k(%arg0: i32, %arg1: i32, %arg2: memref<10000x128xf32, #tpu.memory_space<hbm>>, %arg3: memref<32x79x128xi32, #tpu.memory_space<hbm>>, %arg4: memref<32x79x128xi32, #tpu.memory_space<hbm>>, %arg5: memref<2x10000x128xf32, #tpu.memory_space<hbm>>, %arg6: memref<79x128xi32, #tpu.memory_space<vmem>>, %arg7: memref<79x128xi32, #tpu.memory_space<vmem>>, %arg8: memref<128x128xf32, #tpu.memory_space<vmem>>, %arg9: memref<10128x128xf32, #tpu.memory_space<vmem_shared>>, %arg10: memref<!tpu.dma_semaphore, #tpu.memory_space<semaphore_mem>>) attributes {dimension_semantics = [#tpu.dimension_semantics<core_parallel>, #tpu.dimension_semantics<subcore_parallel>], iteration_bounds = array<i64: 2, 16>, scalar_prefetch = 0 : i64, scratch_operands = 5 : i64, tpu.core_type = #tpu.core_type<sc_vector_subcore>, window_params = [{transform_indices = #map}, {transform_indices = #map1}, {transform_indices = #map1}, {transform_indices = #map1}]} {
    %mul3A = arith.constant 16 : i32
    %mul3A_0 = arith.muli %arg0, %mul3A : i32
    %add3A = arith.addi %mul3A_0, %arg1 : i32
    "tpu.region"() ({
      %run_scoped3A = tpu.sem_alloc : memref<!tpu.dma_semaphore, #tpu.memory_space<semaphore_mem>>
      %dma_start3A = arith.constant 0 : i32
      %dma_start3A_24 = arith.constant 0 : i32
      %dma_start3A_25 = tpu.memref_slice %arg3[%add3A, %dma_start3A, %dma_start3A_24] : memref<32x79x128xi32, #tpu.memory_space<hbm>> -> memref<1x79x128xi32, #tpu.memory_space<hbm>>
      %dma_start3A_26 = tpu.memref_squeeze %dma_start3A_25 : memref<1x79x128xi32, #tpu.memory_space<hbm>> -> memref<79x128xi32, #tpu.memory_space<hbm>>
      %dma_start3A_27 = arith.constant 0 : i32
      %dma_start3A_28 = arith.constant 0 : i32
      %dma_start3A_29 = tpu.memref_slice %arg3[%add3A, %dma_start3A_27, %dma_start3A_28] : memref<32x79x128xi32, #tpu.memory_space<hbm>> -> memref<1x79x128xi32, #tpu.memory_space<hbm>>
      %dma_start3A_30 = tpu.memref_squeeze %dma_start3A_29 : memref<1x79x128xi32, #tpu.memory_space<hbm>> -> memref<79x128xi32, #tpu.memory_space<hbm>>
      tpu.enqueue_dma source(%dma_start3A_30 : memref<79x128xi32, #tpu.memory_space<hbm>>) target(%arg6 : memref<79x128xi32, #tpu.memory_space<vmem>>) target_semaphore(%run_scoped3A : memref<!tpu.dma_semaphore, #tpu.memory_space<semaphore_mem>>)
      %dma_wait3A = arith.constant 0 : i32
      %dma_wait3A_31 = arith.constant 0 : i32
      %dma_wait3A_32 = tpu.memref_slice %arg3[%add3A, %dma_wait3A, %dma_wait3A_31] : memref<32x79x128xi32, #tpu.memory_space<hbm>> -> memref<1x79x128xi32, #tpu.memory_space<hbm>>
      %dma_wait3A_33 = tpu.memref_squeeze %dma_wait3A_32 : memref<1x79x128xi32, #tpu.memory_space<hbm>> -> memref<79x128xi32, #tpu.memory_space<hbm>>
      %dma_wait3A_34 = arith.constant 0 : i32
      %dma_wait3A_35 = arith.constant 0 : i32
      %dma_wait3A_36 = tpu.memref_slice %arg3[%add3A, %dma_wait3A_34, %dma_wait3A_35] : memref<32x79x128xi32, #tpu.memory_space<hbm>> -> memref<1x79x128xi32, #tpu.memory_space<hbm>>
      %dma_wait3A_37 = tpu.memref_squeeze %dma_wait3A_36 : memref<1x79x128xi32, #tpu.memory_space<hbm>> -> memref<79x128xi32, #tpu.memory_space<hbm>>
      tpu.wait_dma2 semaphore(%run_scoped3A : memref<!tpu.dma_semaphore, #tpu.memory_space<semaphore_mem>>) src(%dma_wait3A_37 : memref<79x128xi32, #tpu.memory_space<hbm>>) dst(%arg6 : memref<79x128xi32, #tpu.memory_space<vmem>>)
      tpu.yield
    }) : () -> ()
    "tpu.region"() ({
      %run_scoped3A = tpu.sem_alloc : memref<!tpu.dma_semaphore, #tpu.memory_space<semaphore_mem>>
      %dma_start3A = arith.constant 0 : i32
      %dma_start3A_24 = arith.constant 0 : i32
      %dma_start3A_25 = tpu.memref_slice %arg4[%add3A, %dma_start3A, %dma_start3A_24] : memref<32x79x128xi32, #tpu.memory_space<hbm>> -> memref<1x79x128xi32, #tpu.memory_space<hbm>>
      %dma_start3A_26 = tpu.memref_squeeze %dma_start3A_25 : memref<1x79x128xi32, #tpu.memory_space<hbm>> -> memref<79x128xi32, #tpu.memory_space<hbm>>
      %dma_start3A_27 = arith.constant 0 : i32
      %dma_start3A_28 = arith.constant 0 : i32
      %dma_start3A_29 = tpu.memref_slice %arg4[%add3A, %dma_start3A_27, %dma_start3A_28] : memref<32x79x128xi32, #tpu.memory_space<hbm>> -> memref<1x79x128xi32, #tpu.memory_space<hbm>>
      %dma_start3A_30 = tpu.memref_squeeze %dma_start3A_29 : memref<1x79x128xi32, #tpu.memory_space<hbm>> -> memref<79x128xi32, #tpu.memory_space<hbm>>
      tpu.enqueue_dma source(%dma_start3A_30 : memref<79x128xi32, #tpu.memory_space<hbm>>) target(%arg7 : memref<79x128xi32, #tpu.memory_space<vmem>>) target_semaphore(%run_scoped3A : memref<!tpu.dma_semaphore, #tpu.memory_space<semaphore_mem>>)
      %dma_wait3A = arith.constant 0 : i32
      %dma_wait3A_31 = arith.constant 0 : i32
      %dma_wait3A_32 = tpu.memref_slice %arg4[%add3A, %dma_wait3A, %dma_wait3A_31] : memref<32x79x128xi32, #tpu.memory_space<hbm>> -> memref<1x79x128xi32, #tpu.memory_space<hbm>>
      %dma_wait3A_33 = tpu.memref_squeeze %dma_wait3A_32 : memref<1x79x128xi32, #tpu.memory_space<hbm>> -> memref<79x128xi32, #tpu.memory_space<hbm>>
      %dma_wait3A_34 = arith.constant 0 : i32
      %dma_wait3A_35 = arith.constant 0 : i32
      %dma_wait3A_36 = tpu.memref_slice %arg4[%add3A, %dma_wait3A_34, %dma_wait3A_35] : memref<32x79x128xi32, #tpu.memory_space<hbm>> -> memref<1x79x128xi32, #tpu.memory_space<hbm>>
      %dma_wait3A_37 = tpu.memref_squeeze %dma_wait3A_36 : memref<1x79x128xi32, #tpu.memory_space<hbm>> -> memref<79x128xi32, #tpu.memory_space<hbm>>
      tpu.wait_dma2 semaphore(%run_scoped3A : memref<!tpu.dma_semaphore, #tpu.memory_space<semaphore_mem>>) src(%dma_wait3A_37 : memref<79x128xi32, #tpu.memory_space<hbm>>) dst(%arg7 : memref<79x128xi32, #tpu.memory_space<vmem>>)
      tpu.yield
    }) : () -> ()
    %scan3A = arith.constant 0 : i32
    %scan3A_1 = arith.constant 8 : i32
    %scan3A_2 = arith.addi %scan3A, %scan3A_1 : i32
    %scan3A_3 = arith.constant 1 : i32
    scf.for %scan3A_24 = %scan3A to %scan3A_2 step %scan3A_3  : i32 {
      %mul3A_25 = arith.constant 1 : i32
      %mul3A_26 = arith.muli %scan3A_24, %mul3A_25 : i32
      %add3A_27 = arith.constant 0 : i32
      %add3A_28 = arith.addi %add3A_27, %mul3A_26 : i32
      %scan3A_29 = arith.constant 0 : i32
      %scan3A_30 = arith.constant 8 : i32
      %scan3A_31 = arith.addi %scan3A_29, %scan3A_30 : i32
      %scan3A_32 = arith.constant 1 : i32
      scf.for %scan3A_34 = %scan3A_29 to %scan3A_31 step %scan3A_32  : i32 {
        %mul3A_35 = arith.constant 16 : i32
        %mul3A_36 = arith.muli %scan3A_34, %mul3A_35 : i32
        %add3A_37 = arith.constant 0 : i32
        %add3A_38 = arith.addi %add3A_37, %mul3A_36 : i32
        %broadcast_in_dim3A = arith.constant 0.000000e+00 : f32
        %broadcast_in_dim3A_39 = vector.broadcast %broadcast_in_dim3A : f32 to vector<16xf32>
        %swap3A = arith.index_cast %add3A_28 : i32 to index
        %swap3A_40 = arith.index_cast %add3A_38 : i32 to index
        %swap3A_41 = tpu.vector_load %arg8[%swap3A, %swap3A_40] {strides = array<i32>} : memref<128x128xf32, #tpu.memory_space<vmem>>, vector<1x16xf32>,
        %swap3A_42 = vector.shape_cast %swap3A_41 : vector<1x16xf32> to vector<16xf32>
        %swap3A_43 = vector.shape_cast %broadcast_in_dim3A_39 : vector<16xf32> to vector<1x16xf32>
        tpu.vector_store %arg8[%swap3A, %swap3A_40], %swap3A_43 {strides = array<i32>} : memref<128x128xf32, #tpu.memory_space<vmem>>, vector<1x16xf32>,
      }
      %scan3A_33 = arith.constant 8 : i32
    }
    %scan3A_4 = arith.constant 8 : i32
    %mul3A_5 = arith.constant 8 : i32
    %mul3A_6 = arith.muli %arg1, %mul3A_5 : i32
    %add3A_7 = arith.constant 10000 : i32
    %add3A_8 = arith.addi %add3A_7, %mul3A_6 : i32
    "tpu.region"() ({
      %run_scoped3A = tpu.sem_alloc : memref<!tpu.dma_semaphore, #tpu.memory_space<semaphore_mem>>
      %dma_start3A = arith.constant 0 : i32
      %dma_start3A_24 = arith.constant 0 : i32
      %dma_start3A_25 = tpu.memref_slice %arg8[%dma_start3A, %dma_start3A_24] : memref<128x128xf32, #tpu.memory_space<vmem>> -> memref<8x128xf32, #tpu.memory_space<vmem>>
      %dma_start3A_26 = arith.constant 0 : i32
      %dma_start3A_27 = tpu.memref_slice %arg9[%add3A_8, %dma_start3A_26] : memref<10128x128xf32, #tpu.memory_space<vmem_shared>> -> memref<8x128xf32, #tpu.memory_space<vmem_shared>>
      %dma_start3A_28 = arith.constant 0 : i32
      %dma_start3A_29 = tpu.memref_slice %arg9[%add3A_8, %dma_start3A_28] : memref<10128x128xf32, #tpu.memory_space<vmem_shared>> -> memref<8x128xf32, #tpu.memory_space<vmem_shared>>
      %dma_start3A_30 = arith.constant 0 : i32
      %dma_start3A_31 = arith.constant 0 : i32
      %dma_start3A_32 = tpu.memref_slice %arg8[%dma_start3A_30, %dma_start3A_31] : memref<128x128xf32, #tpu.memory_space<vmem>> -> memref<8x128xf32, #tpu.memory_space<vmem>>
      tpu.enqueue_dma source(%dma_start3A_32 : memref<8x128xf32, #tpu.memory_space<vmem>>) target(%dma_start3A_29 : memref<8x128xf32, #tpu.memory_space<vmem_shared>>) target_semaphore(%run_scoped3A : memref<!tpu.dma_semaphore, #tpu.memory_space<semaphore_mem>>)
      %dma_wait3A = arith.constant 0 : i32
      %dma_wait3A_33 = arith.constant 0 : i32
      %dma_wait3A_34 = tpu.memref_slice %arg8[%dma_wait3A, %dma_wait3A_33] : memref<128x128xf32, #tpu.memory_space<vmem>> -> memref<8x128xf32, #tpu.memory_space<vmem>>
      %dma_wait3A_35 = arith.constant 0 : i32
      %dma_wait3A_36 = tpu.memref_slice %arg9[%add3A_8, %dma_wait3A_35] : memref<10128x128xf32, #tpu.memory_space<vmem_shared>> -> memref<8x128xf32, #tpu.memory_space<vmem_shared>>
      %dma_wait3A_37 = arith.constant 0 : i32
      %dma_wait3A_38 = tpu.memref_slice %arg9[%add3A_8, %dma_wait3A_37] : memref<10128x128xf32, #tpu.memory_space<vmem_shared>> -> memref<8x128xf32, #tpu.memory_space<vmem_shared>>
      %dma_wait3A_39 = arith.constant 0 : i32
      %dma_wait3A_40 = arith.constant 0 : i32
      %dma_wait3A_41 = tpu.memref_slice %arg8[%dma_wait3A_39, %dma_wait3A_40] : memref<128x128xf32, #tpu.memory_space<vmem>> -> memref<8x128xf32, #tpu.memory_space<vmem>>
      tpu.wait_dma2 semaphore(%run_scoped3A : memref<!tpu.dma_semaphore, #tpu.memory_space<semaphore_mem>>) src(%dma_wait3A_41 : memref<8x128xf32, #tpu.memory_space<vmem>>) dst(%dma_wait3A_38 : memref<8x128xf32, #tpu.memory_space<vmem_shared>>)
      tpu.yield
    }) : () -> ()
    %mul3A_9 = arith.constant 624 : i32
    %mul3A_10 = arith.muli %arg1, %mul3A_9 : i32
    "tpu.region"() ({
      %run_scoped3A = tpu.sem_alloc : memref<!tpu.dma_semaphore, #tpu.memory_space<semaphore_mem>>
      %dma_start3A = arith.constant 0 : i32
      %dma_start3A_24 = tpu.memref_slice %arg9[%mul3A_10, %dma_start3A] : memref<10128x128xf32, #tpu.memory_space<vmem_shared>> -> memref<624x128xf32, #tpu.memory_space<vmem_shared>>
      %dma_start3A_25 = arith.constant 0 : i32
      %dma_start3A_26 = tpu.memref_slice %arg2[%mul3A_10, %dma_start3A_25] : memref<10000x128xf32, #tpu.memory_space<hbm>> -> memref<624x128xf32, #tpu.memory_space<hbm>>
      tpu.enqueue_dma source(%dma_start3A_26 : memref<624x128xf32, #tpu.memory_space<hbm>>) target(%dma_start3A_24 : memref<624x128xf32, #tpu.memory_space<vmem_shared>>) target_semaphore(%run_scoped3A : memref<!tpu.dma_semaphore, #tpu.memory_space<semaphore_mem>>)
      %dma_wait3A = arith.constant 0 : i32
      %dma_wait3A_27 = tpu.memref_slice %arg9[%mul3A_10, %dma_wait3A] : memref<10128x128xf32, #tpu.memory_space<vmem_shared>> -> memref<624x128xf32, #tpu.memory_space<vmem_shared>>
      %dma_wait3A_28 = arith.constant 0 : i32
      %dma_wait3A_29 = tpu.memref_slice %arg2[%mul3A_10, %dma_wait3A_28] : memref<10000x128xf32, #tpu.memory_space<hbm>> -> memref<624x128xf32, #tpu.memory_space<hbm>>
      tpu.wait_dma2 semaphore(%run_scoped3A : memref<!tpu.dma_semaphore, #tpu.memory_space<semaphore_mem>>) src(%dma_wait3A_29 : memref<624x128xf32, #tpu.memory_space<hbm>>) dst(%dma_wait3A_27 : memref<624x128xf32, #tpu.memory_space<vmem_shared>>)
      tpu.yield
    }) : () -> ()
    %eq3A = arith.constant 15 : i32
    %eq3A_11 = arith.cmpi eq, %arg1, %eq3A : i32
    %convert_element_type3A = arith.extui %eq3A_11 : i1 to i32
    %cond3A = arith.constant 0 : i32
    %cond3A_12 = arith.cmpi ne, %convert_element_type3A, %cond3A : i32
    scf.if %cond3A_12 {
      "tpu.region"() ({
        %run_scoped3A = tpu.sem_alloc : memref<!tpu.dma_semaphore, #tpu.memory_space<semaphore_mem>>
        %dma_start3A = arith.constant 9984 : i32
        %dma_start3A_24 = arith.constant 0 : i32
        %dma_start3A_25 = tpu.memref_slice %arg9[%dma_start3A, %dma_start3A_24] : memref<10128x128xf32, #tpu.memory_space<vmem_shared>> -> memref<16x128xf32, #tpu.memory_space<vmem_shared>>
        %dma_start3A_26 = arith.constant 9984 : i32
        %dma_start3A_27 = arith.constant 0 : i32
        %dma_start3A_28 = tpu.memref_slice %arg2[%dma_start3A_26, %dma_start3A_27] : memref<10000x128xf32, #tpu.memory_space<hbm>> -> memref<16x128xf32, #tpu.memory_space<hbm>>
        tpu.enqueue_dma source(%dma_start3A_28 : memref<16x128xf32, #tpu.memory_space<hbm>>) target(%dma_start3A_25 : memref<16x128xf32, #tpu.memory_space<vmem_shared>>) target_semaphore(%run_scoped3A : memref<!tpu.dma_semaphore, #tpu.memory_space<semaphore_mem>>)
        %dma_wait3A = arith.constant 9984 : i32
        %dma_wait3A_29 = arith.constant 0 : i32
        %dma_wait3A_30 = tpu.memref_slice %arg9[%dma_wait3A, %dma_wait3A_29] : memref<10128x128xf32, #tpu.memory_space<vmem_shared>> -> memref<16x128xf32, #tpu.memory_space<vmem_shared>>
        %dma_wait3A_31 = arith.constant 9984 : i32
        %dma_wait3A_32 = arith.constant 0 : i32
        %dma_wait3A_33 = tpu.memref_slice %arg2[%dma_wait3A_31, %dma_wait3A_32] : memref<10000x128xf32, #tpu.memory_space<hbm>> -> memref<16x128xf32, #tpu.memory_space<hbm>>
        tpu.wait_dma2 semaphore(%run_scoped3A : memref<!tpu.dma_semaphore, #tpu.memory_space<semaphore_mem>>) src(%dma_wait3A_33 : memref<16x128xf32, #tpu.memory_space<hbm>>) dst(%dma_wait3A_30 : memref<16x128xf32, #tpu.memory_space<vmem_shared>>)
        tpu.yield
      }) : () -> ()
    } else {
    }
    %barrier3A = arith.constant 0 : index
    tpu.barrier barrier_id(%barrier3A)
    %scan3A_13 = arith.constant 0 : i32
    %scan3A_14 = arith.constant 79 : i32
    %scan3A_15 = arith.addi %scan3A_13, %scan3A_14 : i32
    %scan3A_16 = arith.constant 1 : i32
    scf.for %scan3A_24 = %scan3A_13 to %scan3A_15 step %scan3A_16  : i32 {
      %mul3A_25 = arith.constant 1 : i32
      %mul3A_26 = arith.muli %scan3A_24, %mul3A_25 : i32
      %add3A_27 = arith.constant 0 : i32
      %add3A_28 = arith.addi %add3A_27, %mul3A_26 : i32
      %dma_start3A = arith.constant 0 : i32
      %dma_start3A_29 = tpu.memref_slice %arg6[%add3A_28, %dma_start3A] : memref<79x128xi32, #tpu.memory_space<vmem>> -> memref<1x128xi32, #tpu.memory_space<vmem>>
      %dma_start3A_30 = tpu.memref_squeeze %dma_start3A_29 : memref<1x128xi32, #tpu.memory_space<vmem>> -> memref<128xi32, #tpu.memory_space<vmem>>
      %dma_start3A_31 = arith.constant 0 : i32
      %dma_start3A_32 = arith.constant 0 : i32
      %dma_start3A_33 = tpu.memref_slice %arg2[%dma_start3A_31, %dma_start3A_32] : memref<10000x128xf32, #tpu.memory_space<hbm>> -> memref<10000x128xf32, #tpu.memory_space<hbm>>
      tpu.enqueue_indirect_dma source(%dma_start3A_33 : memref<10000x128xf32, #tpu.memory_space<hbm>>) target(%arg8 : memref<128x128xf32, #tpu.memory_space<vmem>>) offsets(%dma_start3A_30 : memref<128xi32, #tpu.memory_space<vmem>>) semaphore(%arg10 : memref<!tpu.dma_semaphore, #tpu.memory_space<semaphore_mem>>)
      %dma_wait3A = arith.constant 0 : i32
      %dma_wait3A_34 = tpu.memref_slice %arg6[%add3A_28, %dma_wait3A] : memref<79x128xi32, #tpu.memory_space<vmem>> -> memref<1x128xi32, #tpu.memory_space<vmem>>
      %dma_wait3A_35 = tpu.memref_squeeze %dma_wait3A_34 : memref<1x128xi32, #tpu.memory_space<vmem>> -> memref<128xi32, #tpu.memory_space<vmem>>
      %dma_wait3A_36 = arith.constant 0 : i32
      %dma_wait3A_37 = arith.constant 0 : i32
      %dma_wait3A_38 = tpu.memref_slice %arg2[%dma_wait3A_36, %dma_wait3A_37] : memref<10000x128xf32, #tpu.memory_space<hbm>> -> memref<10000x128xf32, #tpu.memory_space<hbm>>
      tpu.wait_indirect_dma semaphore(%arg10 : memref<!tpu.dma_semaphore, #tpu.memory_space<semaphore_mem>>) src(%dma_wait3A_38 : memref<10000x128xf32, #tpu.memory_space<hbm>>) dst(%arg8 : memref<128x128xf32, #tpu.memory_space<vmem>>)
      "tpu.region"() ({
        %run_scoped3A = tpu.sem_alloc : memref<!tpu.dma_semaphore, #tpu.memory_space<semaphore_mem>>
        %dma_start3A_39 = arith.constant 0 : i32
        %dma_start3A_40 = tpu.memref_slice %arg7[%add3A_28, %dma_start3A_39] : memref<79x128xi32, #tpu.memory_space<vmem>> -> memref<1x128xi32, #tpu.memory_space<vmem>>
        %dma_start3A_41 = tpu.memref_squeeze %dma_start3A_40 : memref<1x128xi32, #tpu.memory_space<vmem>> -> memref<128xi32, #tpu.memory_space<vmem>>
        %dma_start3A_42 = arith.constant 0 : i32
        %dma_start3A_43 = arith.constant 0 : i32
        %dma_start3A_44 = tpu.memref_slice %arg9[%dma_start3A_42, %dma_start3A_43] : memref<10128x128xf32, #tpu.memory_space<vmem_shared>> -> memref<10128x128xf32, #tpu.memory_space<vmem_shared>>
        tpu.enqueue_indirect_dma source(%arg8 : memref<128x128xf32, #tpu.memory_space<vmem>>) target(%dma_start3A_44 : memref<10128x128xf32, #tpu.memory_space<vmem_shared>>) offsets(%dma_start3A_41 : memref<128xi32, #tpu.memory_space<vmem>>) semaphore(%run_scoped3A : memref<!tpu.dma_semaphore, #tpu.memory_space<semaphore_mem>>) {add = true}
        %dma_wait3A_45 = arith.constant 0 : i32
        %dma_wait3A_46 = tpu.memref_slice %arg7[%add3A_28, %dma_wait3A_45] : memref<79x128xi32, #tpu.memory_space<vmem>> -> memref<1x128xi32, #tpu.memory_space<vmem>>
        %dma_wait3A_47 = tpu.memref_squeeze %dma_wait3A_46 : memref<1x128xi32, #tpu.memory_space<vmem>> -> memref<128xi32, #tpu.memory_space<vmem>>
        %dma_wait3A_48 = arith.constant 0 : i32
        %dma_wait3A_49 = arith.constant 0 : i32
        %dma_wait3A_50 = tpu.memref_slice %arg9[%dma_wait3A_48, %dma_wait3A_49] : memref<10128x128xf32, #tpu.memory_space<vmem_shared>> -> memref<10128x128xf32, #tpu.memory_space<vmem_shared>>
        tpu.wait_indirect_dma semaphore(%run_scoped3A : memref<!tpu.dma_semaphore, #tpu.memory_space<semaphore_mem>>) src(%arg8 : memref<128x128xf32, #tpu.memory_space<vmem>>) dst(%dma_wait3A_50 : memref<10128x128xf32, #tpu.memory_space<vmem_shared>>)
        tpu.yield
      }) : () -> ()
    }
    %scan3A_17 = arith.constant 79 : i32
    %barrier3A_18 = arith.constant 0 : index
    tpu.barrier barrier_id(%barrier3A_18)
    "tpu.region"() ({
      %run_scoped3A = tpu.sem_alloc : memref<!tpu.dma_semaphore, #tpu.memory_space<semaphore_mem>>
      %dma_start3A = arith.constant 0 : i32
      %dma_start3A_24 = arith.constant 0 : i32
      %dma_start3A_25 = tpu.memref_slice %arg5[%arg0, %dma_start3A, %dma_start3A_24] : memref<2x10000x128xf32, #tpu.memory_space<hbm>> -> memref<1x10000x128xf32, #tpu.memory_space<hbm>>
      %dma_start3A_26 = tpu.memref_squeeze %dma_start3A_25 : memref<1x10000x128xf32, #tpu.memory_space<hbm>> -> memref<10000x128xf32, #tpu.memory_space<hbm>>
      %dma_start3A_27 = arith.constant 0 : i32
      %dma_start3A_28 = tpu.memref_slice %dma_start3A_26[%mul3A_10, %dma_start3A_27] : memref<10000x128xf32, #tpu.memory_space<hbm>> -> memref<624x128xf32, #tpu.memory_space<hbm>>
      %dma_start3A_29 = arith.constant 0 : i32
      %dma_start3A_30 = tpu.memref_slice %arg9[%mul3A_10, %dma_start3A_29] : memref<10128x128xf32, #tpu.memory_space<vmem_shared>> -> memref<624x128xf32, #tpu.memory_space<vmem_shared>>
      tpu.enqueue_dma source(%dma_start3A_30 : memref<624x128xf32, #tpu.memory_space<vmem_shared>>) target(%dma_start3A_28 : memref<624x128xf32, #tpu.memory_space<hbm>>) target_semaphore(%run_scoped3A : memref<!tpu.dma_semaphore, #tpu.memory_space<semaphore_mem>>)
      %dma_wait3A = arith.constant 0 : i32
      %dma_wait3A_31 = arith.constant 0 : i32
      %dma_wait3A_32 = tpu.memref_slice %arg5[%arg0, %dma_wait3A, %dma_wait3A_31] : memref<2x10000x128xf32, #tpu.memory_space<hbm>> -> memref<1x10000x128xf32, #tpu.memory_space<hbm>>
      %dma_wait3A_33 = tpu.memref_squeeze %dma_wait3A_32 : memref<1x10000x128xf32, #tpu.memory_space<hbm>> -> memref<10000x128xf32, #tpu.memory_space<hbm>>
      %dma_wait3A_34 = arith.constant 0 : i32
      %dma_wait3A_35 = tpu.memref_slice %dma_wait3A_33[%mul3A_10, %dma_wait3A_34] : memref<10000x128xf32, #tpu.memory_space<hbm>> -> memref<624x128xf32, #tpu.memory_space<hbm>>
      %dma_wait3A_36 = arith.constant 0 : i32
      %dma_wait3A_37 = tpu.memref_slice %arg9[%mul3A_10, %dma_wait3A_36] : memref<10128x128xf32, #tpu.memory_space<vmem_shared>> -> memref<624x128xf32, #tpu.memory_space<vmem_shared>>
      tpu.wait_dma2 semaphore(%run_scoped3A : memref<!tpu.dma_semaphore, #tpu.memory_space<semaphore_mem>>) src(%dma_wait3A_37 : memref<624x128xf32, #tpu.memory_space<vmem_shared>>) dst(%dma_wait3A_35 : memref<624x128xf32, #tpu.memory_space<hbm>>)
      tpu.yield
    }) : () -> ()
    %eq3A_19 = arith.constant 15 : i32
    %eq3A_20 = arith.cmpi eq, %arg1, %eq3A_19 : i32
    %convert_element_type3A_21 = arith.extui %eq3A_20 : i1 to i32
    %cond3A_22 = arith.constant 0 : i32
    %cond3A_23 = arith.cmpi ne, %convert_element_type3A_21, %cond3A_22 : i32
    scf.if %cond3A_23 {
      "tpu.region"() ({
        %run_scoped3A = tpu.sem_alloc : memref<!tpu.dma_semaphore, #tpu.memory_space<semaphore_mem>>
        %dma_start3A = arith.constant 0 : i32
        %dma_start3A_24 = arith.constant 0 : i32
        %dma_start3A_25 = tpu.memref_slice %arg5[%arg0, %dma_start3A, %dma_start3A_24] : memref<2x10000x128xf32, #tpu.memory_space<hbm>> -> memref<1x10000x128xf32, #tpu.memory_space<hbm>>
        %dma_start3A_26 = tpu.memref_squeeze %dma_start3A_25 : memref<1x10000x128xf32, #tpu.memory_space<hbm>> -> memref<10000x128xf32, #tpu.memory_space<hbm>>
        %dma_start3A_27 = arith.constant 9984 : i32
        %dma_start3A_28 = arith.constant 0 : i32
        %dma_start3A_29 = tpu.memref_slice %dma_start3A_26[%dma_start3A_27, %dma_start3A_28] : memref<10000x128xf32, #tpu.memory_space<hbm>> -> memref<16x128xf32, #tpu.memory_space<hbm>>
        %dma_start3A_30 = arith.constant 9984 : i32
        %dma_start3A_31 = arith.constant 0 : i32
        %dma_start3A_32 = tpu.memref_slice %arg9[%dma_start3A_30, %dma_start3A_31] : memref<10128x128xf32, #tpu.memory_space<vmem_shared>> -> memref<16x128xf32, #tpu.memory_space<vmem_shared>>
        tpu.enqueue_dma source(%dma_start3A_32 : memref<16x128xf32, #tpu.memory_space<vmem_shared>>) target(%dma_start3A_29 : memref<16x128xf32, #tpu.memory_space<hbm>>) target_semaphore(%run_scoped3A : memref<!tpu.dma_semaphore, #tpu.memory_space<semaphore_mem>>)
        %dma_wait3A = arith.constant 0 : i32
        %dma_wait3A_33 = arith.constant 0 : i32
        %dma_wait3A_34 = tpu.memref_slice %arg5[%arg0, %dma_wait3A, %dma_wait3A_33] : memref<2x10000x128xf32, #tpu.memory_space<hbm>> -> memref<1x10000x128xf32, #tpu.memory_space<hbm>>
        %dma_wait3A_35 = tpu.memref_squeeze %dma_wait3A_34 : memref<1x10000x128xf32, #tpu.memory_space<hbm>> -> memref<10000x128xf32, #tpu.memory_space<hbm>>
        %dma_wait3A_36 = arith.constant 9984 : i32
        %dma_wait3A_37 = arith.constant 0 : i32
        %dma_wait3A_38 = tpu.memref_slice %dma_wait3A_35[%dma_wait3A_36, %dma_wait3A_37] : memref<10000x128xf32, #tpu.memory_space<hbm>> -> memref<16x128xf32, #tpu.memory_space<hbm>>
        %dma_wait3A_39 = arith.constant 9984 : i32
        %dma_wait3A_40 = arith.constant 0 : i32
        %dma_wait3A_41 = tpu.memref_slice %arg9[%dma_wait3A_39, %dma_wait3A_40] : memref<10128x128xf32, #tpu.memory_space<vmem_shared>> -> memref<16x128xf32, #tpu.memory_space<vmem_shared>>
        tpu.wait_dma2 semaphore(%run_scoped3A : memref<!tpu.dma_semaphore, #tpu.memory_space<semaphore_mem>>) src(%dma_wait3A_41 : memref<16x128xf32, #tpu.memory_space<vmem_shared>>) dst(%dma_wait3A_38 : memref<16x128xf32, #tpu.memory_space<hbm>>)
        tpu.yield
      }) : () -> ()
    } else {
    }
    return
  }
}

#map = affine_map<(d0, d1) -> (0, 0)>
#map1 = affine_map<(d0, d1) -> (0, 0, 0)>
module attributes {stable_mosaic.version = 14 : i64} {
  func.func @k(%arg0: i32, %arg1: i32, %arg2: memref<10000x128xf32, #tpu.memory_space<hbm>>, %arg3: memref<32x79x128xi32, #tpu.memory_space<hbm>>, %arg4: memref<32x79x128xi32, #tpu.memory_space<hbm>>, %arg5: memref<2x10000x128xf32, #tpu.memory_space<hbm>>, %arg6: memref<79x128xi32, #tpu.memory_space<vmem>>, %arg7: memref<79x128xi32, #tpu.memory_space<vmem>>, %arg8: memref<128x128xf32, #tpu.memory_space<vmem>>, %arg9: memref<10128x128xf32, #tpu.memory_space<vmem_shared>>, %arg10: memref<!tpu.dma_semaphore, #tpu.memory_space<semaphore_mem>>) attributes {dimension_semantics = [#tpu.dimension_semantics<core_parallel>, #tpu.dimension_semantics<subcore_parallel>], iteration_bounds = array<i64: 2, 16>, scalar_prefetch = 0 : i64, scratch_operands = 5 : i64, tpu.core_type = #tpu.core_type<sc_vector_subcore>, window_params = [{transform_indices = #map}, {transform_indices = #map1}, {transform_indices = #map1}, {transform_indices = #map1}]} {
    %mul3A = arith.constant 16 : i32
    %mul3A_0 = arith.muli %arg0, %mul3A : i32
    %add3A = arith.addi %mul3A_0, %arg1 : i32
    "tpu.region"() ({
      %run_scoped3A = tpu.sem_alloc : memref<!tpu.dma_semaphore, #tpu.memory_space<semaphore_mem>>
      %dma_start3A = arith.constant 0 : i32
      %dma_start3A_24 = arith.constant 0 : i32
      %dma_start3A_25 = tpu.memref_slice %arg3[%add3A, %dma_start3A, %dma_start3A_24] : memref<32x79x128xi32, #tpu.memory_space<hbm>> -> memref<1x79x128xi32, #tpu.memory_space<hbm>>
      %dma_start3A_26 = tpu.memref_squeeze %dma_start3A_25 : memref<1x79x128xi32, #tpu.memory_space<hbm>> -> memref<79x128xi32, #tpu.memory_space<hbm>>
      %dma_start3A_27 = arith.constant 0 : i32
      %dma_start3A_28 = arith.constant 0 : i32
      %dma_start3A_29 = tpu.memref_slice %arg3[%add3A, %dma_start3A_27, %dma_start3A_28] : memref<32x79x128xi32, #tpu.memory_space<hbm>> -> memref<1x79x128xi32, #tpu.memory_space<hbm>>
      %dma_start3A_30 = tpu.memref_squeeze %dma_start3A_29 : memref<1x79x128xi32, #tpu.memory_space<hbm>> -> memref<79x128xi32, #tpu.memory_space<hbm>>
      tpu.enqueue_dma source(%dma_start3A_30 : memref<79x128xi32, #tpu.memory_space<hbm>>) target(%arg6 : memref<79x128xi32, #tpu.memory_space<vmem>>) target_semaphore(%run_scoped3A : memref<!tpu.dma_semaphore, #tpu.memory_space<semaphore_mem>>)
      %dma_wait3A = arith.constant 0 : i32
      %dma_wait3A_31 = arith.constant 0 : i32
      %dma_wait3A_32 = tpu.memref_slice %arg3[%add3A, %dma_wait3A, %dma_wait3A_31] : memref<32x79x128xi32, #tpu.memory_space<hbm>> -> memref<1x79x128xi32, #tpu.memory_space<hbm>>
      %dma_wait3A_33 = tpu.memref_squeeze %dma_wait3A_32 : memref<1x79x128xi32, #tpu.memory_space<hbm>> -> memref<79x128xi32, #tpu.memory_space<hbm>>
      %dma_wait3A_34 = arith.constant 0 : i32
      %dma_wait3A_35 = arith.constant 0 : i32
      %dma_wait3A_36 = tpu.memref_slice %arg3[%add3A, %dma_wait3A_34, %dma_wait3A_35] : memref<32x79x128xi32, #tpu.memory_space<hbm>> -> memref<1x79x128xi32, #tpu.memory_space<hbm>>
      %dma_wait3A_37 = tpu.memref_squeeze %dma_wait3A_36 : memref<1x79x128xi32, #tpu.memory_space<hbm>> -> memref<79x128xi32, #tpu.memory_space<hbm>>
      tpu.wait_dma2 semaphore(%run_scoped3A : memref<!tpu.dma_semaphore, #tpu.memory_space<semaphore_mem>>) src(%dma_wait3A_37 : memref<79x128xi32, #tpu.memory_space<hbm>>) dst(%arg6 : memref<79x128xi32, #tpu.memory_space<vmem>>)
      tpu.yield
    }) : () -> ()
    "tpu.region"() ({
      %run_scoped3A = tpu.sem_alloc : memref<!tpu.dma_semaphore, #tpu.memory_space<semaphore_mem>>
      %dma_start3A = arith.constant 0 : i32
      %dma_start3A_24 = arith.constant 0 : i32
      %dma_start3A_25 = tpu.memref_slice %arg4[%add3A, %dma_start3A, %dma_start3A_24] : memref<32x79x128xi32, #tpu.memory_space<hbm>> -> memref<1x79x128xi32, #tpu.memory_space<hbm>>
      %dma_start3A_26 = tpu.memref_squeeze %dma_start3A_25 : memref<1x79x128xi32, #tpu.memory_space<hbm>> -> memref<79x128xi32, #tpu.memory_space<hbm>>
      %dma_start3A_27 = arith.constant 0 : i32
      %dma_start3A_28 = arith.constant 0 : i32
      %dma_start3A_29 = tpu.memref_slice %arg4[%add3A, %dma_start3A_27, %dma_start3A_28] : memref<32x79x128xi32, #tpu.memory_space<hbm>> -> memref<1x79x128xi32, #tpu.memory_space<hbm>>
      %dma_start3A_30 = tpu.memref_squeeze %dma_start3A_29 : memref<1x79x128xi32, #tpu.memory_space<hbm>> -> memref<79x128xi32, #tpu.memory_space<hbm>>
      tpu.enqueue_dma source(%dma_start3A_30 : memref<79x128xi32, #tpu.memory_space<hbm>>) target(%arg7 : memref<79x128xi32, #tpu.memory_space<vmem>>) target_semaphore(%run_scoped3A : memref<!tpu.dma_semaphore, #tpu.memory_space<semaphore_mem>>)
      %dma_wait3A = arith.constant 0 : i32
      %dma_wait3A_31 = arith.constant 0 : i32
      %dma_wait3A_32 = tpu.memref_slice %arg4[%add3A, %dma_wait3A, %dma_wait3A_31] : memref<32x79x128xi32, #tpu.memory_space<hbm>> -> memref<1x79x128xi32, #tpu.memory_space<hbm>>
      %dma_wait3A_33 = tpu.memref_squeeze %dma_wait3A_32 : memref<1x79x128xi32, #tpu.memory_space<hbm>> -> memref<79x128xi32, #tpu.memory_space<hbm>>
      %dma_wait3A_34 = arith.constant 0 : i32
      %dma_wait3A_35 = arith.constant 0 : i32
      %dma_wait3A_36 = tpu.memref_slice %arg4[%add3A, %dma_wait3A_34, %dma_wait3A_35] : memref<32x79x128xi32, #tpu.memory_space<hbm>> -> memref<1x79x128xi32, #tpu.memory_space<hbm>>
      %dma_wait3A_37 = tpu.memref_squeeze %dma_wait3A_36 : memref<1x79x128xi32, #tpu.memory_space<hbm>> -> memref<79x128xi32, #tpu.memory_space<hbm>>
      tpu.wait_dma2 semaphore(%run_scoped3A : memref<!tpu.dma_semaphore, #tpu.memory_space<semaphore_mem>>) src(%dma_wait3A_37 : memref<79x128xi32, #tpu.memory_space<hbm>>) dst(%arg7 : memref<79x128xi32, #tpu.memory_space<vmem>>)
      tpu.yield
    }) : () -> ()
    %scan3A = arith.constant 0 : i32
    %scan3A_1 = arith.constant 8 : i32
    %scan3A_2 = arith.addi %scan3A, %scan3A_1 : i32
    %scan3A_3 = arith.constant 1 : i32
    scf.for %scan3A_24 = %scan3A to %scan3A_2 step %scan3A_3  : i32 {
      %mul3A_25 = arith.constant 1 : i32
      %mul3A_26 = arith.muli %scan3A_24, %mul3A_25 : i32
      %add3A_27 = arith.constant 0 : i32
      %add3A_28 = arith.addi %add3A_27, %mul3A_26 : i32
      %scan3A_29 = arith.constant 0 : i32
      %scan3A_30 = arith.constant 8 : i32
      %scan3A_31 = arith.addi %scan3A_29, %scan3A_30 : i32
      %scan3A_32 = arith.constant 1 : i32
      scf.for %scan3A_34 = %scan3A_29 to %scan3A_31 step %scan3A_32  : i32 {
        %mul3A_35 = arith.constant 16 : i32
        %mul3A_36 = arith.muli %scan3A_34, %mul3A_35 : i32
        %add3A_37 = arith.constant 0 : i32
        %add3A_38 = arith.addi %add3A_37, %mul3A_36 : i32
        %broadcast_in_dim3A = arith.constant 0.000000e+00 : f32
        %broadcast_in_dim3A_39 = vector.broadcast %broadcast_in_dim3A : f32 to vector<16xf32>
        %swap3A = arith.index_cast %add3A_28 : i32 to index
        %swap3A_40 = arith.index_cast %add3A_38 : i32 to index
        %swap3A_41 = tpu.vector_load %arg8[%swap3A, %swap3A_40] {strides = array<i32>} : memref<128x128xf32, #tpu.memory_space<vmem>>, vector<1x16xf32>,
        %swap3A_42 = vector.shape_cast %swap3A_41 : vector<1x16xf32> to vector<16xf32>
        %swap3A_43 = vector.shape_cast %broadcast_in_dim3A_39 : vector<16xf32> to vector<1x16xf32>
        tpu.vector_store %arg8[%swap3A, %swap3A_40], %swap3A_43 {strides = array<i32>} : memref<128x128xf32, #tpu.memory_space<vmem>>, vector<1x16xf32>,
      }
      %scan3A_33 = arith.constant 8 : i32
    }
    %scan3A_4 = arith.constant 8 : i32
    %mul3A_5 = arith.constant 8 : i32
    %mul3A_6 = arith.muli %arg1, %mul3A_5 : i32
    %add3A_7 = arith.constant 10000 : i32
    %add3A_8 = arith.addi %add3A_7, %mul3A_6 : i32
    "tpu.region"() ({
      %run_scoped3A = tpu.sem_alloc : memref<!tpu.dma_semaphore, #tpu.memory_space<semaphore_mem>>
      %dma_start3A = arith.constant 0 : i32
      %dma_start3A_24 = arith.constant 0 : i32
      %dma_start3A_25 = tpu.memref_slice %arg8[%dma_start3A, %dma_start3A_24] : memref<128x128xf32, #tpu.memory_space<vmem>> -> memref<8x128xf32, #tpu.memory_space<vmem>>
      %dma_start3A_26 = arith.constant 0 : i32
      %dma_start3A_27 = tpu.memref_slice %arg9[%add3A_8, %dma_start3A_26] : memref<10128x128xf32, #tpu.memory_space<vmem_shared>> -> memref<8x128xf32, #tpu.memory_space<vmem_shared>>
      %dma_start3A_28 = arith.constant 0 : i32
      %dma_start3A_29 = tpu.memref_slice %arg9[%add3A_8, %dma_start3A_28] : memref<10128x128xf32, #tpu.memory_space<vmem_shared>> -> memref<8x128xf32, #tpu.memory_space<vmem_shared>>
      %dma_start3A_30 = arith.constant 0 : i32
      %dma_start3A_31 = arith.constant 0 : i32
      %dma_start3A_32 = tpu.memref_slice %arg8[%dma_start3A_30, %dma_start3A_31] : memref<128x128xf32, #tpu.memory_space<vmem>> -> memref<8x128xf32, #tpu.memory_space<vmem>>
      tpu.enqueue_dma source(%dma_start3A_32 : memref<8x128xf32, #tpu.memory_space<vmem>>) target(%dma_start3A_29 : memref<8x128xf32, #tpu.memory_space<vmem_shared>>) target_semaphore(%run_scoped3A : memref<!tpu.dma_semaphore, #tpu.memory_space<semaphore_mem>>)
      %dma_wait3A = arith.constant 0 : i32
      %dma_wait3A_33 = arith.constant 0 : i32
      %dma_wait3A_34 = tpu.memref_slice %arg8[%dma_wait3A, %dma_wait3A_33] : memref<128x128xf32, #tpu.memory_space<vmem>> -> memref<8x128xf32, #tpu.memory_space<vmem>>
      %dma_wait3A_35 = arith.constant 0 : i32
      %dma_wait3A_36 = tpu.memref_slice %arg9[%add3A_8, %dma_wait3A_35] : memref<10128x128xf32, #tpu.memory_space<vmem_shared>> -> memref<8x128xf32, #tpu.memory_space<vmem_shared>>
      %dma_wait3A_37 = arith.constant 0 : i32
      %dma_wait3A_38 = tpu.memref_slice %arg9[%add3A_8, %dma_wait3A_37] : memref<10128x128xf32, #tpu.memory_space<vmem_shared>> -> memref<8x128xf32, #tpu.memory_space<vmem_shared>>
      %dma_wait3A_39 = arith.constant 0 : i32
      %dma_wait3A_40 = arith.constant 0 : i32
      %dma_wait3A_41 = tpu.memref_slice %arg8[%dma_wait3A_39, %dma_wait3A_40] : memref<128x128xf32, #tpu.memory_space<vmem>> -> memref<8x128xf32, #tpu.memory_space<vmem>>
      tpu.wait_dma2 semaphore(%run_scoped3A : memref<!tpu.dma_semaphore, #tpu.memory_space<semaphore_mem>>) src(%dma_wait3A_41 : memref<8x128xf32, #tpu.memory_space<vmem>>) dst(%dma_wait3A_38 : memref<8x128xf32, #tpu.memory_space<vmem_shared>>)
      tpu.yield
    }) : () -> ()
    %mul3A_9 = arith.constant 624 : i32
    %mul3A_10 = arith.muli %arg1, %mul3A_9 : i32
    "tpu.region"() ({
      %run_scoped3A = tpu.sem_alloc : memref<!tpu.dma_semaphore, #tpu.memory_space<semaphore_mem>>
      %dma_start3A = arith.constant 0 : i32
      %dma_start3A_24 = tpu.memref_slice %arg9[%mul3A_10, %dma_start3A] : memref<10128x128xf32, #tpu.memory_space<vmem_shared>> -> memref<624x128xf32, #tpu.memory_space<vmem_shared>>
      %dma_start3A_25 = arith.constant 0 : i32
      %dma_start3A_26 = tpu.memref_slice %arg2[%mul3A_10, %dma_start3A_25] : memref<10000x128xf32, #tpu.memory_space<hbm>> -> memref<624x128xf32, #tpu.memory_space<hbm>>
      tpu.enqueue_dma source(%dma_start3A_26 : memref<624x128xf32, #tpu.memory_space<hbm>>) target(%dma_start3A_24 : memref<624x128xf32, #tpu.memory_space<vmem_shared>>) target_semaphore(%run_scoped3A : memref<!tpu.dma_semaphore, #tpu.memory_space<semaphore_mem>>)
      %dma_wait3A = arith.constant 0 : i32
      %dma_wait3A_27 = tpu.memref_slice %arg9[%mul3A_10, %dma_wait3A] : memref<10128x128xf32, #tpu.memory_space<vmem_shared>> -> memref<624x128xf32, #tpu.memory_space<vmem_shared>>
      %dma_wait3A_28 = arith.constant 0 : i32
      %dma_wait3A_29 = tpu.memref_slice %arg2[%mul3A_10, %dma_wait3A_28] : memref<10000x128xf32, #tpu.memory_space<hbm>> -> memref<624x128xf32, #tpu.memory_space<hbm>>
      tpu.wait_dma2 semaphore(%run_scoped3A : memref<!tpu.dma_semaphore, #tpu.memory_space<semaphore_mem>>) src(%dma_wait3A_29 : memref<624x128xf32, #tpu.memory_space<hbm>>) dst(%dma_wait3A_27 : memref<624x128xf32, #tpu.memory_space<vmem_shared>>)
      tpu.yield
    }) : () -> ()
    %eq3A = arith.constant 15 : i32
    %eq3A_11 = arith.cmpi eq, %arg1, %eq3A : i32
    %convert_element_type3A = arith.extui %eq3A_11 : i1 to i32
    %cond3A = arith.constant 0 : i32
    %cond3A_12 = arith.cmpi ne, %convert_element_type3A, %cond3A : i32
    scf.if %cond3A_12 {
      "tpu.region"() ({
        %run_scoped3A = tpu.sem_alloc : memref<!tpu.dma_semaphore, #tpu.memory_space<semaphore_mem>>
        %dma_start3A = arith.constant 9984 : i32
        %dma_start3A_24 = arith.constant 0 : i32
        %dma_start3A_25 = tpu.memref_slice %arg9[%dma_start3A, %dma_start3A_24] : memref<10128x128xf32, #tpu.memory_space<vmem_shared>> -> memref<16x128xf32, #tpu.memory_space<vmem_shared>>
        %dma_start3A_26 = arith.constant 9984 : i32
        %dma_start3A_27 = arith.constant 0 : i32
        %dma_start3A_28 = tpu.memref_slice %arg2[%dma_start3A_26, %dma_start3A_27] : memref<10000x128xf32, #tpu.memory_space<hbm>> -> memref<16x128xf32, #tpu.memory_space<hbm>>
        tpu.enqueue_dma source(%dma_start3A_28 : memref<16x128xf32, #tpu.memory_space<hbm>>) target(%dma_start3A_25 : memref<16x128xf32, #tpu.memory_space<vmem_shared>>) target_semaphore(%run_scoped3A : memref<!tpu.dma_semaphore, #tpu.memory_space<semaphore_mem>>)
        %dma_wait3A = arith.constant 9984 : i32
        %dma_wait3A_29 = arith.constant 0 : i32
        %dma_wait3A_30 = tpu.memref_slice %arg9[%dma_wait3A, %dma_wait3A_29] : memref<10128x128xf32, #tpu.memory_space<vmem_shared>> -> memref<16x128xf32, #tpu.memory_space<vmem_shared>>
        %dma_wait3A_31 = arith.constant 9984 : i32
        %dma_wait3A_32 = arith.constant 0 : i32
        %dma_wait3A_33 = tpu.memref_slice %arg2[%dma_wait3A_31, %dma_wait3A_32] : memref<10000x128xf32, #tpu.memory_space<hbm>> -> memref<16x128xf32, #tpu.memory_space<hbm>>
        tpu.wait_dma2 semaphore(%run_scoped3A : memref<!tpu.dma_semaphore, #tpu.memory_space<semaphore_mem>>) src(%dma_wait3A_33 : memref<16x128xf32, #tpu.memory_space<hbm>>) dst(%dma_wait3A_30 : memref<16x128xf32, #tpu.memory_space<vmem_shared>>)
        tpu.yield
      }) : () -> ()
    } else {
    }
    %barrier3A = arith.constant 0 : index
    tpu.barrier barrier_id(%barrier3A)
    %scan3A_13 = arith.constant 0 : i32
    %scan3A_14 = arith.constant 79 : i32
    %scan3A_15 = arith.addi %scan3A_13, %scan3A_14 : i32
    %scan3A_16 = arith.constant 1 : i32
    scf.for %scan3A_24 = %scan3A_13 to %scan3A_15 step %scan3A_16  : i32 {
      %mul3A_25 = arith.constant 1 : i32
      %mul3A_26 = arith.muli %scan3A_24, %mul3A_25 : i32
      %add3A_27 = arith.constant 0 : i32
      %add3A_28 = arith.addi %add3A_27, %mul3A_26 : i32
      %dma_start3A = arith.constant 0 : i32
      %dma_start3A_29 = tpu.memref_slice %arg6[%add3A_28, %dma_start3A] : memref<79x128xi32, #tpu.memory_space<vmem>> -> memref<1x128xi32, #tpu.memory_space<vmem>>
      %dma_start3A_30 = tpu.memref_squeeze %dma_start3A_29 : memref<1x128xi32, #tpu.memory_space<vmem>> -> memref<128xi32, #tpu.memory_space<vmem>>
      %dma_start3A_31 = arith.constant 0 : i32
      %dma_start3A_32 = arith.constant 0 : i32
      %dma_start3A_33 = tpu.memref_slice %arg2[%dma_start3A_31, %dma_start3A_32] : memref<10000x128xf32, #tpu.memory_space<hbm>> -> memref<10000x128xf32, #tpu.memory_space<hbm>>
      tpu.enqueue_indirect_dma source(%dma_start3A_33 : memref<10000x128xf32, #tpu.memory_space<hbm>>) target(%arg8 : memref<128x128xf32, #tpu.memory_space<vmem>>) offsets(%dma_start3A_30 : memref<128xi32, #tpu.memory_space<vmem>>) semaphore(%arg10 : memref<!tpu.dma_semaphore, #tpu.memory_space<semaphore_mem>>)
      %dma_wait3A = arith.constant 0 : i32
      %dma_wait3A_34 = tpu.memref_slice %arg6[%add3A_28, %dma_wait3A] : memref<79x128xi32, #tpu.memory_space<vmem>> -> memref<1x128xi32, #tpu.memory_space<vmem>>
      %dma_wait3A_35 = tpu.memref_squeeze %dma_wait3A_34 : memref<1x128xi32, #tpu.memory_space<vmem>> -> memref<128xi32, #tpu.memory_space<vmem>>
      %dma_wait3A_36 = arith.constant 0 : i32
      %dma_wait3A_37 = arith.constant 0 : i32
      %dma_wait3A_38 = tpu.memref_slice %arg2[%dma_wait3A_36, %dma_wait3A_37] : memref<10000x128xf32, #tpu.memory_space<hbm>> -> memref<10000x128xf32, #tpu.memory_space<hbm>>
      tpu.wait_indirect_dma semaphore(%arg10 : memref<!tpu.dma_semaphore, #tpu.memory_space<semaphore_mem>>) src(%dma_wait3A_38 : memref<10000x128xf32, #tpu.memory_space<hbm>>) dst(%arg8 : memref<128x128xf32, #tpu.memory_space<vmem>>)
      "tpu.region"() ({
        %run_scoped3A = tpu.sem_alloc : memref<!tpu.dma_semaphore, #tpu.memory_space<semaphore_mem>>
        %dma_start3A_39 = arith.constant 0 : i32
        %dma_start3A_40 = tpu.memref_slice %arg7[%add3A_28, %dma_start3A_39] : memref<79x128xi32, #tpu.memory_space<vmem>> -> memref<1x128xi32, #tpu.memory_space<vmem>>
        %dma_start3A_41 = tpu.memref_squeeze %dma_start3A_40 : memref<1x128xi32, #tpu.memory_space<vmem>> -> memref<128xi32, #tpu.memory_space<vmem>>
        %dma_start3A_42 = arith.constant 0 : i32
        %dma_start3A_43 = arith.constant 0 : i32
        %dma_start3A_44 = tpu.memref_slice %arg9[%dma_start3A_42, %dma_start3A_43] : memref<10128x128xf32, #tpu.memory_space<vmem_shared>> -> memref<10128x128xf32, #tpu.memory_space<vmem_shared>>
        tpu.enqueue_indirect_dma source(%arg8 : memref<128x128xf32, #tpu.memory_space<vmem>>) target(%dma_start3A_44 : memref<10128x128xf32, #tpu.memory_space<vmem_shared>>) offsets(%dma_start3A_41 : memref<128xi32, #tpu.memory_space<vmem>>) semaphore(%run_scoped3A : memref<!tpu.dma_semaphore, #tpu.memory_space<semaphore_mem>>) {add = true}
        %dma_wait3A_45 = arith.constant 0 : i32
        %dma_wait3A_46 = tpu.memref_slice %arg7[%add3A_28, %dma_wait3A_45] : memref<79x128xi32, #tpu.memory_space<vmem>> -> memref<1x128xi32, #tpu.memory_space<vmem>>
        %dma_wait3A_47 = tpu.memref_squeeze %dma_wait3A_46 : memref<1x128xi32, #tpu.memory_space<vmem>> -> memref<128xi32, #tpu.memory_space<vmem>>
        %dma_wait3A_48 = arith.constant 0 : i32
        %dma_wait3A_49 = arith.constant 0 : i32
        %dma_wait3A_50 = tpu.memref_slice %arg9[%dma_wait3A_48, %dma_wait3A_49] : memref<10128x128xf32, #tpu.memory_space<vmem_shared>> -> memref<10128x128xf32, #tpu.memory_space<vmem_shared>>
        tpu.wait_indirect_dma semaphore(%run_scoped3A : memref<!tpu.dma_semaphore, #tpu.memory_space<semaphore_mem>>) src(%arg8 : memref<128x128xf32, #tpu.memory_space<vmem>>) dst(%dma_wait3A_50 : memref<10128x128xf32, #tpu.memory_space<vmem_shared>>)
        tpu.yield
      }) : () -> ()
    }
    %scan3A_17 = arith.constant 79 : i32
    %barrier3A_18 = arith.constant 0 : index
    tpu.barrier barrier_id(%barrier3A_18)
    "tpu.region"() ({
      %run_scoped3A = tpu.sem_alloc : memref<!tpu.dma_semaphore, #tpu.memory_space<semaphore_mem>>
      %dma_start3A = arith.constant 0 : i32
      %dma_start3A_24 = arith.constant 0 : i32
      %dma_start3A_25 = tpu.memref_slice %arg5[%arg0, %dma_start3A, %dma_start3A_24] : memref<2x10000x128xf32, #tpu.memory_space<hbm>> -> memref<1x10000x128xf32, #tpu.memory_space<hbm>>
      %dma_start3A_26 = tpu.memref_squeeze %dma_start3A_25 : memref<1x10000x128xf32, #tpu.memory_space<hbm>> -> memref<10000x128xf32, #tpu.memory_space<hbm>>
      %dma_start3A_27 = arith.constant 0 : i32
      %dma_start3A_28 = tpu.memref_slice %dma_start3A_26[%mul3A_10, %dma_start3A_27] : memref<10000x128xf32, #tpu.memory_space<hbm>> -> memref<624x128xf32, #tpu.memory_space<hbm>>
      %dma_start3A_29 = arith.constant 0 : i32
      %dma_start3A_30 = tpu.memref_slice %arg9[%mul3A_10, %dma_start3A_29] : memref<10128x128xf32, #tpu.memory_space<vmem_shared>> -> memref<624x128xf32, #tpu.memory_space<vmem_shared>>
      tpu.enqueue_dma source(%dma_start3A_30 : memref<624x128xf32, #tpu.memory_space<vmem_shared>>) target(%dma_start3A_28 : memref<624x128xf32, #tpu.memory_space<hbm>>) target_semaphore(%run_scoped3A : memref<!tpu.dma_semaphore, #tpu.memory_space<semaphore_mem>>)
      %dma_wait3A = arith.constant 0 : i32
      %dma_wait3A_31 = arith.constant 0 : i32
      %dma_wait3A_32 = tpu.memref_slice %arg5[%arg0, %dma_wait3A, %dma_wait3A_31] : memref<2x10000x128xf32, #tpu.memory_space<hbm>> -> memref<1x10000x128xf32, #tpu.memory_space<hbm>>
      %dma_wait3A_33 = tpu.memref_squeeze %dma_wait3A_32 : memref<1x10000x128xf32, #tpu.memory_space<hbm>> -> memref<10000x128xf32, #tpu.memory_space<hbm>>
      %dma_wait3A_34 = arith.constant 0 : i32
      %dma_wait3A_35 = tpu.memref_slice %dma_wait3A_33[%mul3A_10, %dma_wait3A_34] : memref<10000x128xf32, #tpu.memory_space<hbm>> -> memref<624x128xf32, #tpu.memory_space<hbm>>
      %dma_wait3A_36 = arith.constant 0 : i32
      %dma_wait3A_37 = tpu.memref_slice %arg9[%mul3A_10, %dma_wait3A_36] : memref<10128x128xf32, #tpu.memory_space<vmem_shared>> -> memref<624x128xf32, #tpu.memory_space<vmem_shared>>
      tpu.wait_dma2 semaphore(%run_scoped3A : memref<!tpu.dma_semaphore, #tpu.memory_space<semaphore_mem>>) src(%dma_wait3A_37 : memref<624x128xf32, #tpu.memory_space<vmem_shared>>) dst(%dma_wait3A_35 : memref<624x128xf32, #tpu.memory_space<hbm>>)
      tpu.yield
    }) : () -> ()
    %eq3A_19 = arith.constant 15 : i32
    %eq3A_20 = arith.cmpi eq, %arg1, %eq3A_19 : i32
    %convert_element_type3A_21 = arith.extui %eq3A_20 : i1 to i32
    %cond3A_22 = arith.constant 0 : i32
    %cond3A_23 = arith.cmpi ne, %convert_element_type3A_21, %cond3A_22 : i32
    scf.if %cond3A_23 {
      "tpu.region"() ({
        %run_scoped3A = tpu.sem_alloc : memref<!tpu.dma_semaphore, #tpu.memory_space<semaphore_mem>>
        %dma_start3A = arith.constant 0 : i32
        %dma_start3A_24 = arith.constant 0 : i32
        %dma_start3A_25 = tpu.memref_slice %arg5[%arg0, %dma_start3A, %dma_start3A_24] : memref<2x10000x128xf32, #tpu.memory_space<hbm>> -> memref<1x10000x128xf32, #tpu.memory_space<hbm>>
        %dma_start3A_26 = tpu.memref_squeeze %dma_start3A_25 : memref<1x10000x128xf32, #tpu.memory_space<hbm>> -> memref<10000x128xf32, #tpu.memory_space<hbm>>
        %dma_start3A_27 = arith.constant 9984 : i32
        %dma_start3A_28 = arith.constant 0 : i32
        %dma_start3A_29 = tpu.memref_slice %dma_start3A_26[%dma_start3A_27, %dma_start3A_28] : memref<10000x128xf32, #tpu.memory_space<hbm>> -> memref<16x128xf32, #tpu.memory_space<hbm>>
        %dma_start3A_30 = arith.constant 9984 : i32
        %dma_start3A_31 = arith.constant 0 : i32
        %dma_start3A_32 = tpu.memref_slice %arg9[%dma_start3A_30, %dma_start3A_31] : memref<10128x128xf32, #tpu.memory_space<vmem_shared>> -> memref<16x128xf32, #tpu.memory_space<vmem_shared>>
        tpu.enqueue_dma source(%dma_start3A_32 : memref<16x128xf32, #tpu.memory_space<vmem_shared>>) target(%dma_start3A_29 : memref<16x128xf32, #tpu.memory_space<hbm>>) target_semaphore(%run_scoped3A : memref<!tpu.dma_semaphore, #tpu.memory_space<semaphore_mem>>)
        %dma_wait3A = arith.constant 0 : i32
        %dma_wait3A_33 = arith.constant 0 : i32
        %dma_wait3A_34 = tpu.memref_slice %arg5[%arg0, %dma_wait3A, %dma_wait3A_33] : memref<2x10000x128xf32, #tpu.memory_space<hbm>> -> memref<1x10000x128xf32, #tpu.memory_space<hbm>>
        %dma_wait3A_35 = tpu.memref_squeeze %dma_wait3A_34 : memref<1x10000x128xf32, #tpu.memory_space<hbm>> -> memref<10000x128xf32, #tpu.memory_space<hbm>>
        %dma_wait3A_36 = arith.constant 9984 : i32
        %dma_wait3A_37 = arith.constant 0 : i32
        %dma_wait3A_38 = tpu.memref_slice %dma_wait3A_35[%dma_wait3A_36, %dma_wait3A_37] : memref<10000x128xf32, #tpu.memory_space<hbm>> -> memref<16x128xf32, #tpu.memory_space<hbm>>
        %dma_wait3A_39 = arith.constant 9984 : i32
        %dma_wait3A_40 = arith.constant 0 : i32
        %dma_wait3A_41 = tpu.memref_slice %arg9[%dma_wait3A_39, %dma_wait3A_40] : memref<10128x128xf32, #tpu.memory_space<vmem_shared>> -> memref<16x128xf32, #tpu.memory_space<vmem_shared>>
        tpu.wait_dma2 semaphore(%run_scoped3A : memref<!tpu.dma_semaphore, #tpu.memory_space<semaphore_mem>>) src(%dma_wait3A_41 : memref<16x128xf32, #tpu.memory_space<vmem_shared>>) dst(%dma_wait3A_38 : memref<16x128xf32, #tpu.memory_space<hbm>>)
        tpu.yield
      }) : () -> ()
    } else {
    }
    return
  }
}

module attributes {stable_mosaic.version = 14 : i64} {
  func.func @body(%arg0: i32, %arg1: memref<2x2000x128xf32, #tpu.memory_space<vmem>>, %arg2: memref<2000x128xf32, #tpu.memory_space<vmem>>, %arg3: memref<128x128xf32, #tpu.memory_space<vmem>>, %arg4: memref<1x128xf32, #tpu.memory_space<vmem>>, %arg5: memref<128x128xf32, #tpu.memory_space<vmem>>, %arg6: memref<1x128xf32, #tpu.memory_space<vmem>>, %arg7: memref<2000x128xf32, #tpu.memory_space<vmem>>) attributes {dimension_semantics = [#tpu.dimension_semantics<arbitrary>], iteration_bounds = array<i64: 5>, scalar_prefetch = 0 : i64, scratch_operands = 0 : i64, tpu.core_type = #tpu.core_type<tc>, window_params = [{transform_indices = @transform_0, window_bounds = array<i64: 2, 2000, 128>}, {transform_indices = @transform_1, window_bounds = array<i64: 2000, 128>}, {pipeline_mode = #tpu.pipeline_mode<synchronous>, transform_indices = @transform_2, window_bounds = array<i64: 128, 128>}, {pipeline_mode = #tpu.pipeline_mode<synchronous>, transform_indices = @transform_3, window_bounds = array<i64: 1, 128>}, {pipeline_mode = #tpu.pipeline_mode<synchronous>, transform_indices = @transform_4, window_bounds = array<i64: 128, 128>}, {pipeline_mode = #tpu.pipeline_mode<synchronous>, transform_indices = @transform_5, window_bounds = array<i64: 1, 128>}, {transform_indices = @transform_6, window_bounds = array<i64: 2000, 128>}]} {
    %get3A = arith.constant 0 : index
    %get3A_0 = arith.constant 0 : index
    %get3A_1 = arith.constant 0 : index
    %get3A_2 = vector.load %arg1[%get3A, %get3A_0, %get3A_1] : memref<2x2000x128xf32, #tpu.memory_space<vmem>>, vector<1x2000x128xf32>
    %get3A_3 = vector.shape_cast %get3A_2 : vector<1x2000x128xf32> to vector<2000x128xf32>
    %get3A_4 = arith.constant 1 : index
    %get3A_5 = arith.constant 0 : index
    %get3A_6 = arith.constant 0 : index
    %get3A_7 = vector.load %arg1[%get3A_4, %get3A_5, %get3A_6] : memref<2x2000x128xf32, #tpu.memory_space<vmem>>, vector<1x2000x128xf32>
    %get3A_8 = vector.shape_cast %get3A_7 : vector<1x2000x128xf32> to vector<2000x128xf32>
    %add3A = arith.addf %get3A_3, %get3A_8 : vector<2000x128xf32>
    %get3A_9 = arith.constant 0 : index
    %get3A_10 = arith.constant 0 : index
    %get3A_11 = vector.load %arg2[%get3A_9, %get3A_10] : memref<2000x128xf32, #tpu.memory_space<vmem>>, vector<2000x128xf32>
    %sub3A = arith.subf %add3A, %get3A_11 : vector<2000x128xf32>
    %get3A_12 = arith.constant 0 : index
    %get3A_13 = arith.constant 0 : index
    %get3A_14 = vector.load %arg3[%get3A_12, %get3A_13] : memref<128x128xf32, #tpu.memory_space<vmem>>, vector<128x128xf32>
    %dot_general3A = arith.constant dense<0.000000e+00> : vector<2000x128xf32>
    %dot_general3A_15 = tpu.matmul %sub3A, %get3A_14, %dot_general3A {dimension_numbers = #tpu.dot_dimension_numbers<[1], [0], [0], [1], [0, 0, 1, 1], [], []>, transpose_lhs_hint = false} : vector<2000x128xf32>, vector<128x128xf32>, vector<2000x128xf32> -> vector<2000x128xf32>
    %get3A_16 = arith.constant 0 : index
    %get3A_17 = arith.constant 0 : index
    %get3A_18 = vector.load %arg4[%get3A_16, %get3A_17] : memref<1x128xf32, #tpu.memory_space<vmem>>, vector<1x128xf32>
    %add3A_19 = vector.broadcast %get3A_18 : vector<1x128xf32> to vector<2000x128xf32>
    %add3A_20 = arith.addf %dot_general3A_15, %add3A_19 : vector<2000x128xf32>
    %max3A = arith.constant 0.000000e+00 : f32
    %max3A_21 = vector.broadcast %max3A : f32 to vector<2000x128xf32>
    %max3A_22 = arith.maximumf %add3A_20, %max3A_21 : vector<2000x128xf32>
    %get3A_23 = arith.constant 0 : index
    %get3A_24 = arith.constant 0 : index
    %get3A_25 = vector.load %arg5[%get3A_23, %get3A_24] : memref<128x128xf32, #tpu.memory_space<vmem>>, vector<128x128xf32>
    %dot_general3A_26 = arith.constant dense<0.000000e+00> : vector<2000x128xf32>
    %dot_general3A_27 = tpu.matmul %max3A_22, %get3A_25, %dot_general3A_26 {dimension_numbers = #tpu.dot_dimension_numbers<[1], [0], [0], [1], [0, 0, 1, 1], [], []>, transpose_lhs_hint = false} : vector<2000x128xf32>, vector<128x128xf32>, vector<2000x128xf32> -> vector<2000x128xf32>
    %get3A_28 = arith.constant 0 : index
    %get3A_29 = arith.constant 0 : index
    %get3A_30 = vector.load %arg6[%get3A_28, %get3A_29] : memref<1x128xf32, #tpu.memory_space<vmem>>, vector<1x128xf32>
    %add3A_31 = vector.broadcast %get3A_30 : vector<1x128xf32> to vector<2000x128xf32>
    %add3A_32 = arith.addf %dot_general3A_27, %add3A_31 : vector<2000x128xf32>
    %swap3A = arith.constant 0 : index
    %swap3A_33 = arith.constant 0 : index
    %swap3A_34 = vector.load %arg7[%swap3A, %swap3A_33] : memref<2000x128xf32, #tpu.memory_space<vmem>>, vector<2000x128xf32>
    tpu.vector_store %arg7[%swap3A, %swap3A_33], %add3A_32 {strides = array<i32>} : memref<2000x128xf32, #tpu.memory_space<vmem>>, vector<2000x128xf32>,
    return
  }
  func.func @transform_0(%arg0: i32) -> (i32, i32, i32) {
    %c0_i32 = arith.constant 0 : i32
    %c0_i32_0 = arith.constant 0 : i32
    %c0_i32_1 = arith.constant 0 : i32
    return %c0_i32, %arg0, %c0_i32_0 : i32, i32, i32
  }
  func.func @transform_1(%arg0: i32) -> (i32, i32) {
    %c0_i32 = arith.constant 0 : i32
    %c0_i32_0 = arith.constant 0 : i32
    return %arg0, %c0_i32 : i32, i32
  }
  func.func @transform_2(%arg0: i32) -> (i32, i32) {
    %c0_i32 = arith.constant 0 : i32
    %c0_i32_0 = arith.constant 0 : i32
    %c0_i32_1 = arith.constant 0 : i32
    return %c0_i32, %c0_i32_0 : i32, i32
  }
  func.func @transform_3(%arg0: i32) -> (i32, i32) {
    %c0_i32 = arith.constant 0 : i32
    %c0_i32_0 = arith.constant 0 : i32
    %c0_i32_1 = arith.constant 0 : i32
    return %c0_i32, %c0_i32_0 : i32, i32
  }
  func.func @transform_4(%arg0: i32) -> (i32, i32) {
    %c0_i32 = arith.constant 0 : i32
    %c0_i32_0 = arith.constant 0 : i32
    %c0_i32_1 = arith.constant 0 : i32
    return %c0_i32, %c0_i32_0 : i32, i32
  }
  func.func @transform_5(%arg0: i32) -> (i32, i32) {
    %c0_i32 = arith.constant 0 : i32
    %c0_i32_0 = arith.constant 0 : i32
    %c0_i32_1 = arith.constant 0 : i32
    return %c0_i32, %c0_i32_0 : i32, i32
  }
  func.func @transform_6(%arg0: i32) -> (i32, i32) {
    %c0_i32 = arith.constant 0 : i32
    %c0_i32_0 = arith.constant 0 : i32
    return %arg0, %c0_i32 : i32, i32
  }
}

module attributes {stable_mosaic.version = 14 : i64} {
  func.func @body(%arg0: i32, %arg1: memref<2000x128xf32, #tpu.memory_space<vmem>>, %arg2: memref<1x1x2000xi32, #tpu.memory_space<vmem>>, %arg3: memref<256x128xf32, #tpu.memory_space<vmem>>, %arg4: memref<1x128xf32, #tpu.memory_space<vmem>>, %arg5: memref<128x128xf32, #tpu.memory_space<vmem>>, %arg6: memref<1x128xf32, #tpu.memory_space<vmem>>, %arg7: memref<16x128xf32, #tpu.memory_space<vmem>>, %arg8: memref<16x128xf32, #tpu.memory_space<vmem>>, %arg9: memref<16x1xf32, #tpu.memory_space<vmem>>) attributes {dimension_semantics = [#tpu.dimension_semantics<arbitrary>], iteration_bounds = array<i64: 5>, scalar_prefetch = 0 : i64, scratch_operands = 2 : i64, tpu.core_type = #tpu.core_type<tc>, window_params = [{transform_indices = @transform_0, window_bounds = array<i64: 2000, 128>}, {transform_indices = @transform_1, window_bounds = array<i64: 1, 1, 2000>}, {pipeline_mode = #tpu.pipeline_mode<synchronous>, transform_indices = @transform_2, window_bounds = array<i64: 256, 128>}, {pipeline_mode = #tpu.pipeline_mode<synchronous>, transform_indices = @transform_3, window_bounds = array<i64: 1, 128>}, {pipeline_mode = #tpu.pipeline_mode<synchronous>, transform_indices = @transform_4, window_bounds = array<i64: 128, 128>}, {pipeline_mode = #tpu.pipeline_mode<synchronous>, transform_indices = @transform_5, window_bounds = array<i64: 1, 128>}, {pipeline_mode = #tpu.pipeline_mode<synchronous>, transform_indices = @transform_6, window_bounds = array<i64: 16, 128>}]} {
    %eq3A = arith.constant 0 : i32
    %eq3A_0 = arith.cmpi eq, %arg0, %eq3A : i32
    %convert_element_type3A = arith.extui %eq3A_0 : i1 to i32
    %cond3A = arith.constant 0 : i32
    %cond3A_1 = arith.cmpi ne, %convert_element_type3A, %cond3A : i32
    scf.if %cond3A_1 {
      %broadcast_in_dim3A_32 = arith.constant 0.000000e+00 : f32
      %broadcast_in_dim3A_33 = vector.broadcast %broadcast_in_dim3A_32 : f32 to vector<16x128xf32>
      %swap3A_34 = arith.constant 0 : index
      %swap3A_35 = arith.constant 0 : index
      %swap3A_36 = vector.load %arg8[%swap3A_34, %swap3A_35] : memref<16x128xf32, #tpu.memory_space<vmem>>, vector<16x128xf32>
      tpu.vector_store %arg8[%swap3A_34, %swap3A_35], %broadcast_in_dim3A_33 {strides = array<i32>} : memref<16x128xf32, #tpu.memory_space<vmem>>, vector<16x128xf32>,
      %broadcast_in_dim3A_37 = arith.constant 0.000000e+00 : f32
      %broadcast_in_dim3A_38 = vector.broadcast %broadcast_in_dim3A_37 : f32 to vector<16x1xf32>
      %swap3A_39 = arith.constant 0 : index
      %swap3A_40 = arith.constant 0 : index
      %swap3A_41 = vector.load %arg9[%swap3A_39, %swap3A_40] : memref<16x1xf32, #tpu.memory_space<vmem>>, vector<16x1xf32>
      tpu.vector_store %arg9[%swap3A_39, %swap3A_40], %broadcast_in_dim3A_38 {strides = array<i32>} : memref<16x1xf32, #tpu.memory_space<vmem>>, vector<16x1xf32>,
    } else {
    }
    %iota3A = tpu.iota {dimensions = array<i32: 0>} : vector<16x2000xi32>
    %get3A = arith.constant 0 : index
    %get3A_2 = arith.constant 0 : index
    %get3A_3 = arith.constant 0 : index
    %get3A_4 = vector.load %arg2[%get3A, %get3A_2, %get3A_3] : memref<1x1x2000xi32, #tpu.memory_space<vmem>>, vector<1x1x2000xi32>
    %get3A_5 = vector.shape_cast %get3A_4 : vector<1x1x2000xi32> to vector<1x2000xi32>
    %eq3A_6 = vector.broadcast %get3A_5 : vector<1x2000xi32> to vector<16x2000xi32>
    %eq3A_7 = arith.cmpi eq, %iota3A, %eq3A_6 : vector<16x2000xi32>
    %convert_element_type3A_8 = arith.extui %eq3A_7 : vector<16x2000xi1> to vector<16x2000xi32>
    %convert_element_type3A_9 = arith.sitofp %convert_element_type3A_8 : vector<16x2000xi32> to vector<16x2000xf32>
    %get3A_10 = arith.constant 0 : index
    %get3A_11 = arith.constant 0 : index
    %get3A_12 = vector.load %arg8[%get3A_10, %get3A_11] : memref<16x128xf32, #tpu.memory_space<vmem>>, vector<16x128xf32>
    %get3A_13 = arith.constant 0 : index
    %get3A_14 = arith.constant 0 : index
    %get3A_15 = vector.load %arg1[%get3A_13, %get3A_14] : memref<2000x128xf32, #tpu.memory_space<vmem>>, vector<2000x128xf32>
    %dot_general3A = arith.constant dense<0.000000e+00> : vector<16x128xf32>
    %dot_general3A_16 = tpu.matmul %convert_element_type3A_9, %get3A_15, %dot_general3A {dimension_numbers = #tpu.dot_dimension_numbers<[1], [0], [0], [1], [0, 0, 1, 1], [], []>, transpose_lhs_hint = false} : vector<16x2000xf32>, vector<2000x128xf32>, vector<16x128xf32> -> vector<16x128xf32>
    %add3A = arith.addf %get3A_12, %dot_general3A_16 : vector<16x128xf32>
    %swap3A = arith.constant 0 : index
    %swap3A_17 = arith.constant 0 : index
    %swap3A_18 = vector.load %arg8[%swap3A, %swap3A_17] : memref<16x128xf32, #tpu.memory_space<vmem>>, vector<16x128xf32>
    tpu.vector_store %arg8[%swap3A, %swap3A_17], %add3A {strides = array<i32>} : memref<16x128xf32, #tpu.memory_space<vmem>>, vector<16x128xf32>,
    %get3A_19 = arith.constant 0 : index
    %get3A_20 = arith.constant 0 : index
    %get3A_21 = vector.load %arg9[%get3A_19, %get3A_20] : memref<16x1xf32, #tpu.memory_space<vmem>>, vector<16x1xf32>
    %reduce_sum3A = arith.constant dense<0.000000e+00> : vector<16xf32>
    %reduce_sum3A_22 = vector.multi_reduction <add>, %convert_element_type3A_9, %reduce_sum3A [1] : vector<16x2000xf32> to vector<16xf32>
    %broadcast_in_dim3A = vector.shape_cast %reduce_sum3A_22 : vector<16xf32> to vector<16x1xf32>
    %add3A_23 = arith.addf %get3A_21, %broadcast_in_dim3A : vector<16x1xf32>
    %swap3A_24 = arith.constant 0 : index
    %swap3A_25 = arith.constant 0 : index
    %swap3A_26 = vector.load %arg9[%swap3A_24, %swap3A_25] : memref<16x1xf32, #tpu.memory_space<vmem>>, vector<16x1xf32>
    tpu.vector_store %arg9[%swap3A_24, %swap3A_25], %add3A_23 {strides = array<i32>} : memref<16x1xf32, #tpu.memory_space<vmem>>, vector<16x1xf32>,
    %eq3A_27 = arith.constant 4 : i32
    %eq3A_28 = arith.cmpi eq, %arg0, %eq3A_27 : i32
    %convert_element_type3A_29 = arith.extui %eq3A_28 : i1 to i32
    %cond3A_30 = arith.constant 0 : i32
    %cond3A_31 = arith.cmpi ne, %convert_element_type3A_29, %cond3A_30 : i32
    scf.if %cond3A_31 {
      %get3A_32 = arith.constant 0 : index
      %get3A_33 = arith.constant 0 : index
      %get3A_34 = vector.load %arg8[%get3A_32, %get3A_33] : memref<16x128xf32, #tpu.memory_space<vmem>>, vector<16x128xf32>
      %get3A_35 = arith.constant 0 : index
      %get3A_36 = arith.constant 0 : index
      %get3A_37 = vector.load %arg9[%get3A_35, %get3A_36] : memref<16x1xf32, #tpu.memory_space<vmem>>, vector<16x1xf32>
      %max3A = arith.constant 1.000000e+00 : f32
      %max3A_38 = vector.broadcast %max3A : f32 to vector<16x1xf32>
      %max3A_39 = arith.maximumf %get3A_37, %max3A_38 : vector<16x1xf32>
      %div3A = vector.broadcast %max3A_39 : vector<16x1xf32> to vector<16x128xf32>
      %div3A_40 = arith.divf %get3A_34, %div3A : vector<16x128xf32>
      %get3A_41 = arith.constant 0 : index
      %get3A_42 = arith.constant 0 : index
      %get3A_43 = vector.load %arg3[%get3A_41, %get3A_42] : memref<256x128xf32, #tpu.memory_space<vmem>>, vector<128x128xf32>
      %dot_general3A_44 = arith.constant dense<0.000000e+00> : vector<16x128xf32>
      %dot_general3A_45 = tpu.matmul %get3A_34, %get3A_43, %dot_general3A_44 {dimension_numbers = #tpu.dot_dimension_numbers<[1], [0], [0], [1], [0, 0, 1, 1], [], []>, transpose_lhs_hint = false} : vector<16x128xf32>, vector<128x128xf32>, vector<16x128xf32> -> vector<16x128xf32>
      %get3A_46 = arith.constant 128 : index
      %get3A_47 = arith.constant 0 : index
      %get3A_48 = vector.load %arg3[%get3A_46, %get3A_47] : memref<256x128xf32, #tpu.memory_space<vmem>>, vector<128x128xf32>
      %dot_general3A_49 = arith.constant dense<0.000000e+00> : vector<16x128xf32>
      %dot_general3A_50 = tpu.matmul %div3A_40, %get3A_48, %dot_general3A_49 {dimension_numbers = #tpu.dot_dimension_numbers<[1], [0], [0], [1], [0, 0, 1, 1], [], []>, transpose_lhs_hint = false} : vector<16x128xf32>, vector<128x128xf32>, vector<16x128xf32> -> vector<16x128xf32>
      %add3A_51 = arith.addf %dot_general3A_45, %dot_general3A_50 : vector<16x128xf32>
      %get3A_52 = arith.constant 0 : index
      %get3A_53 = arith.constant 0 : index
      %get3A_54 = vector.load %arg4[%get3A_52, %get3A_53] : memref<1x128xf32, #tpu.memory_space<vmem>>, vector<1x128xf32>
      %add3A_55 = vector.broadcast %get3A_54 : vector<1x128xf32> to vector<16x128xf32>
      %add3A_56 = arith.addf %add3A_51, %add3A_55 : vector<16x128xf32>
      %max3A_57 = arith.constant 0.000000e+00 : f32
      %max3A_58 = vector.broadcast %max3A_57 : f32 to vector<16x128xf32>
      %max3A_59 = arith.maximumf %add3A_56, %max3A_58 : vector<16x128xf32>
      %get3A_60 = arith.constant 0 : index
      %get3A_61 = arith.constant 0 : index
      %get3A_62 = vector.load %arg5[%get3A_60, %get3A_61] : memref<128x128xf32, #tpu.memory_space<vmem>>, vector<128x128xf32>
      %dot_general3A_63 = arith.constant dense<0.000000e+00> : vector<16x128xf32>
      %dot_general3A_64 = tpu.matmul %max3A_59, %get3A_62, %dot_general3A_63 {dimension_numbers = #tpu.dot_dimension_numbers<[1], [0], [0], [1], [0, 0, 1, 1], [], []>, transpose_lhs_hint = false} : vector<16x128xf32>, vector<128x128xf32>, vector<16x128xf32> -> vector<16x128xf32>
      %get3A_65 = arith.constant 0 : index
      %get3A_66 = arith.constant 0 : index
      %get3A_67 = vector.load %arg6[%get3A_65, %get3A_66] : memref<1x128xf32, #tpu.memory_space<vmem>>, vector<1x128xf32>
      %add3A_68 = vector.broadcast %get3A_67 : vector<1x128xf32> to vector<16x128xf32>
      %add3A_69 = arith.addf %dot_general3A_64, %add3A_68 : vector<16x128xf32>
      %swap3A_70 = arith.constant 0 : index
      %swap3A_71 = arith.constant 0 : index
      %swap3A_72 = vector.load %arg7[%swap3A_70, %swap3A_71] : memref<16x128xf32, #tpu.memory_space<vmem>>, vector<16x128xf32>
      tpu.vector_store %arg7[%swap3A_70, %swap3A_71], %add3A_69 {strides = array<i32>} : memref<16x128xf32, #tpu.memory_space<vmem>>, vector<16x128xf32>,
    } else {
    }
    return
  }
  func.func @transform_0(%arg0: i32) -> (i32, i32) {
    %c0_i32 = arith.constant 0 : i32
    %c0_i32_0 = arith.constant 0 : i32
    return %arg0, %c0_i32 : i32, i32
  }
  func.func @transform_1(%arg0: i32) -> (i32, i32, i32) {
    %c0_i32 = arith.constant 0 : i32
    %c0_i32_0 = arith.constant 0 : i32
    %c0_i32_1 = arith.constant 0 : i32
    return %arg0, %c0_i32, %c0_i32_0 : i32, i32, i32
  }
  func.func @transform_2(%arg0: i32) -> (i32, i32) {
    %c0_i32 = arith.constant 0 : i32
    %c0_i32_0 = arith.constant 0 : i32
    %c0_i32_1 = arith.constant 0 : i32
    return %c0_i32, %c0_i32_0 : i32, i32
  }
  func.func @transform_3(%arg0: i32) -> (i32, i32) {
    %c0_i32 = arith.constant 0 : i32
    %c0_i32_0 = arith.constant 0 : i32
    %c0_i32_1 = arith.constant 0 : i32
    return %c0_i32, %c0_i32_0 : i32, i32
  }
  func.func @transform_4(%arg0: i32) -> (i32, i32) {
    %c0_i32 = arith.constant 0 : i32
    %c0_i32_0 = arith.constant 0 : i32
    %c0_i32_1 = arith.constant 0 : i32
    return %c0_i32, %c0_i32_0 : i32, i32
  }
  func.func @transform_5(%arg0: i32) -> (i32, i32) {
    %c0_i32 = arith.constant 0 : i32
    %c0_i32_0 = arith.constant 0 : i32
    %c0_i32_1 = arith.constant 0 : i32
    return %c0_i32, %c0_i32_0 : i32, i32
  }
  func.func @transform_6(%arg0: i32) -> (i32, i32) {
    %c0_i32 = arith.constant 0 : i32
    %c0_i32_0 = arith.constant 0 : i32
    %c0_i32_1 = arith.constant 0 : i32
    return %c0_i32, %c0_i32_0 : i32, i32
  }
}

</mosaic_0001>

<sc_bundles>
// kernel: kernel.12.cloned.1.call-start
scs
__scs_entry_jumppad:
0x0: {  	(pc) =	sbr.rel $0x88, $3  }
0x1: {  	(tag) =	ssettag $0x0;
	lr =	simm.s32 $0x1  }
0x2: {  	[smem:$0x3F96] =	sst lr;
	_ =	strace $0xD0000000  }
0x3: {  	_ = 	snop  }
0x4: {  	_ = 	snop  }
0x5: {  	_ = 	snop  }
0x6: {  	_ = 	snop  }
0x7: {  	_ = 	snop  }
__scs_overlays_trampoline_lowered:
0x8: {  	[smem:$0x3FA5] =	sst s0  }
0x9: {  	[smem:$0x3FA6] =	sst s1  }
0xa: {  	[smem:$0x3FA7] =	sst s2  }
0xb: {  	[smem:$0x3FA8] =	sst s3  }
0xc: {  	[smem:$0x3FA9] =	sst s4  }
0xd: {  	[smem:$0x3FAA] =	sst s5  }
0xe: {  	[smem:$0x3FAB] =	sst s6  }
0xf: {  	[smem:$0x3FAC] =	sst s7  }
0x10: {  	[smem:$0x3FAD] =	sst s8  }
0x11: {  	[smem:$0x3FAE] =	sst s9;
	s0 =	simm.s32 @!p0 $0x0  }
0x12: {  	s1 =	sld [smem:$0x3F94];
	s0 =	simm.s32 @p0 $0x1  }
0x13: {  	[smem:$0x3FAF] =	sst s0;
	s0 =	simm.s32 @!p1 $0x0  }
0x14: {  	s2 =	sld [smem:$0x3F93];
	s0 =	simm.s32 @p1 $0x1  }
0x15: {  	[smem:$0x3FB0] =	sst s0;
	s0 =	simm.s32 @!p2 $0x0  }
0x16: {  	s3 =	sld [smem:$0x3FDB];
	s0 =	simm.s32 @p2 $0x1  }
0x17: {  	s4 =	simm.s32 $0x1BF5;
	[smem:$0x3FB2] =	sst s0  }
0x18: {  	s0 =	sld [smem:$0x3F95];
	_ =	swait.ge [sflag:s4], $0x0  }
0x19: {  	s7 =	sld [smem:$0x3F96]  }
0x1a: {  	s8 =	sadd.s32 $0xFFFFE003, lr  }
0x1b: {  	s9 =	sadd.s32 $0xFFFFFEF7, lr;
	s5 =	simm.s32 $0xFFFFFFFF;
	p2 =	slt.u32 s8, $0xFFFFF086  }
0x1c: {  	p1 =	slt.u32 s9, $0xF7A;
	s5 =	simm.s32 @!p2 $0x0  }
0x1d: {  	s5 =	simm.s32 @p1 $0x1;
	p0 =	seq.s32 s7, s2  }
0x1e: {  	s7 =	smul.u32 @!p0 $0xF7A, s2;
	p2 =	seq.s32 @!p0 s5, $0x0  }
0x1f: {  	s9 =	smul.u32 $0xF7A, s1;
	s8 =	simm.s32 @!p0 $0x1BF5;
	p2 =	por !p2, p0  }
0x20: {  	[sflag:s8] =	ssyncset.s32 @!p0 $0xFFFFF086;
	s6 =	sadd.s32 @!p0 s3, s7;
	s7 =	simm.s32 @!p0 $0x108  }
0x21: {  	s3 =	sadd.s32 s3, s9;
	s6 =	sadd.s32 @!p0 $0x88, s6;
	s7 =	simm.s32 @p2 $0x1082  }
0x22: {  	[simem:s7], [sflag:s8] =	dma.local @!p0 [hbm:s6], $0xF7A  }
0x23: {  	s9 =	sor.u32 $0xD0000000, s2;
	s6 =	simm.s32 $0x108;
	_ =	swait.ge @!p0 [sflag:s8], $0x0  }
0x24: {  	s3 =	sadd.s32 $0x88, s3;
	s6 =	simm.s32 @!p1 $0x1082;
	[sflag:s4] =	ssyncset.s32 $0xFFFFF086  }
0x25: {  	[simem:s6], [sflag:s4] =	dma.local [hbm:s3], $0xF7A  }
0x26: {  	[smem:$0x3F96] =	sst s1;
	(tag) =	ssettag s2;
	_ =	strace s9  }
0x27: {  	s1 =	sld [smem:$0x3FA6]  }
0x28: {  	s2 =	sld [smem:$0x3FA7]  }
0x29: {  	s4 =	sld [smem:$0x3FA9]  }
0x2a: {  	p0 =	seq.s32 s5, $0x0;
	s5 =	sld [smem:$0x3FAA]  }
0x2b: {  	s6 =	sld [smem:$0x3FAB]  }
0x2c: {  	s7 =	sld [smem:$0x3FAC]  }
0x2d: {  	s3 =	simm.s32 $0x108;
	s8 =	sld [smem:$0x3FAD]  }
0x2e: {  	s3 =	simm.s32 @!p0 $0x1082;
	s9 =	sld [smem:$0x3FAE]  }
0x2f: {  	lr =	sadd.s32 s0, s3;
	s0 =	sld [smem:$0x3FA5]  }
0x30: {  	s3 =	sld [smem:$0x3FA8]  }
0x31: {  	[smem:$0x3FB1] =	sst s10  }
0x32: {  	s10 =	sld [smem:$0x3FAF];
	_ =	sdelay $0x3  }
0x33: {  	p0 =	seq.s32 s10, $0x1;
	s10 =	sld [smem:$0x3FB1];
	_ =	sdelay $0x3  }
0x34: {  	[smem:$0x3FB1] =	sst s10  }
0x35: {  	s10 =	sld [smem:$0x3FB0];
	_ =	sdelay $0x3  }
0x36: {  	p1 =	seq.s32 s10, $0x1;
	s10 =	sld [smem:$0x3FB1];
	_ =	sdelay $0x3  }
0x37: {  	[smem:$0x3FB1] =	sst s10  }
0x38: {  	s10 =	sld [smem:$0x3FB2]  }
0x39: {  	_ = 	snop;
	(pc) =	sbr.ind lr, $3  }
0x3a: {  	_ = 	snop  }
0x3b: {  	_ = 	snop  }
0x3c: {  	p2 =	seq.s32 s10, $0x1;
	s10 =	sld [smem:$0x3FB1]  }
0x3d: {  	_ =	shalt  }
0x3e: {  	_ =	shalt  }
0x3f: {  	_ =	shalt  }
0x40: {  	_ =	shalt  }
0x41: {  	_ =	shalt  }
0x42: {  	_ =	shalt  }
0x43: {  	_ =	shalt  }
0x44: {  	_ =	shalt  }
0x45: {  	_ =	shalt  }
0x46: {  	_ =	shalt  }
0x47: {  	_ =	shalt  }
0x48: {  	_ =	shalt  }
0x49: {  	_ =	shalt  }
0x4a: {  	_ =	shalt  }
0x4b: {  	_ =	shalt  }
0x4c: {  	_ =	shalt  }
0x4d: {  	_ =	shalt  }
0x4e: {  	_ =	shalt  }
0x4f: {  	_ =	shalt  }
0x50: {  	_ =	shalt  }
0x51: {  	_ =	shalt  }
0x52: {  	_ =	shalt  }
0x53: {  	_ =	shalt  }
0x54: {  	_ =	shalt  }
0x55: {  	_ =	shalt  }
0x56: {  	_ =	shalt  }
0x57: {  	_ =	shalt  }
0x58: {  	_ =	shalt  }
0x59: {  	_ =	shalt  }
0x5a: {  	_ =	shalt  }
0x5b: {  	_ =	shalt  }
0x5c: {  	_ =	shalt  }
0x5d: {  	_ =	shalt  }
0x5e: {  	_ =	shalt  }
0x5f: {  	_ =	shalt  }
0x60: {  	_ =	shalt  }
0x61: {  	_ =	shalt  }
0x62: {  	_ =	shalt  }
0x63: {  	_ =	shalt  }
0x64: {  	_ =	shalt  }
0x65: {  	_ =	shalt  }
0x66: {  	_ =	shalt  }
0x67: {  	_ =	shalt  }
0x68: {  	_ =	shalt  }
0x69: {  	_ =	shalt  }
0x6a: {  	_ =	shalt  }
0x6b: {  	_ =	shalt  }
0x6c: {  	_ =	shalt  }
0x6d: {  	_ =	shalt  }
0x6e: {  	_ =	shalt  }
0x6f: {  	_ =	shalt  }
0x70: {  	_ =	shalt  }
0x71: {  	_ =	shalt  }
0x72: {  	_ =	shalt  }
0x73: {  	_ =	shalt  }
0x74: {  	_ =	shalt  }
0x75: {  	_ =	shalt  }
0x76: {  	_ =	shalt  }
0x77: {  	_ =	shalt  }
0x78: {  	_ =	shalt  }
0x79: {  	_ =	shalt  }
0x7a: {  	_ =	shalt  }
0x7b: {  	_ =	shalt  }
0x7c: {  	_ =	shalt  }
0x7d: {  	_ =	shalt  }
0x7e: {  	_ =	shalt  }
0x7f: {  	_ =	shalt  }
0x80: {  	_ =	shalt  }
0x81: {  	_ =	shalt  }
0x82: {  	_ =	shalt  }
0x83: {  	_ =	shalt  }
0x84: {  	_ =	shalt  }
0x85: {  	_ =	shalt  }
0x86: {  	_ =	shalt  }
0x87: {  	_ =	shalt  }
.Lfunc_end0:
.L_simem_size_0:
called_computation.1_lowered:
.L_overlay_start_0:
0x88: {  	s2 =	sld [smem:$0x3FD9]  }
0x89: {  	s3 =	sld [smem:$0x3FFE];
	_ =	sdelay $0x1  }
0x8a: {  	s1 =	srdreg.scid  }
0x8b: {  	s0 =	sand.u32 $0x1, s1  }
0x8c: {  	s16 =	sshll.u32 s0, $0xA;
	s2 =	sadd.s32 s3, s2  }
0x8d: {  	s2 =	sadd.s32 s2, s16  }
0x8e: {  	[smem:$0x3FBD] =	sst s2  }
0x8f: {  	_ = 	snop  }
0x90: {  	(tm) =	ssettm $0x1  }
0x91: {  	s17 =	sld [smem:$0x3FFB];
	_ =	sdelay $0x3  }
0x92: {  	_ =	strace s17  }
0x93: {  	s2 =	sld [smem:$0x3FFC];
	_ =	sdelay $0x3  }
0x94: {  	_ =	strace s2  }
0x95: {  	s2 =	sld [smem:$0x3FFD];
	_ =	sdelay $0x3  }
0x96: {  	_ =	strace s2  }
0x97: {  	_ =	strace $0x8FFFFFFF  }
0x98: {  	s18 =	sld [smem:$0x3FDB];
	_ =	sdelay $0x1  }
0x99: {  	s19 =	simm.s32 $_scs_section_size  }
0x9a: {  	s4 =	simm.s32 $_size__tile_overlayer_lowered;
	s5 =	simm.s32 $_tile_overlayer_lowered  }
0x9b: {  	s22 =	simm.s32 $0x1BFF;
	s21 =	sshll.u32 s5, $0x1;
	s2 =	sadd.s32 s19, s18  }
0x9c: {  	s6 =	simm.s32 $0x0;
	s20 =	sshll.u32 s4, $0x1;
	s4 =	sadd.s32 s21, s2  }
0x9d: {  	[timem:s6], [sflag:s22] =	dma.local [hbm:s4], s20  }
0x9e: {  	_ =	swait.ge [sflag:s22], s20  }
0x9f: {  	s3 =	ssub.s32 $0x0, s20;
	[sflag:s22] =	ssyncset.done $0x0  }
0xa0: {  	[sflag:s22] =	ssyncadd.s32 s3;
	_ =	sdelay $0x1  }
0xa1: {  	s23 =	simm.s32 $0x1B8B  }
0xa2: {  	_ =	swait.ge [sflag:s23], $0x1  }
0xa3: {  	[sflag:s23] =	ssyncset.done $0x0  }
0xa4: {  	s25 =	simm.s32 $0x1B8E;
	s24 =	sld [smem:$0x3FFE];
	[sflag:s23] =	ssyncadd.s32 $0xFFFFFFFF  }
0xa5: {  	s26 =	simm.s32 $execute0_lowered;
	[smem:$0x3FD2] =	sst s25  }
0xa6: {  	s4 =	sshll.u32 s26, $0x1;
	_ =	strace $0x80000049;
	[dreg:$0x1] =	wrdreg $0xFFFFFFFF  }
0xa7: {  	s28 =	simm.s32 $_size_execute0_lowered;
	s2 =	sadd.s32 s2, s4;
	[dreg:$0x0] =	wrdreg $0x0  }
0xa8: {  	s4 =	sshll.u32 s28, $0x1;
	[dreg:$0x2] =	wrdreg s2  }
0xa9: {  	[dreg:$0x3] =	wrdreg s4  }
0xaa: {  	[dreg:$0x4] =	wrdreg $0xC0  }
0xab: {  	_ =	task [dreg:s6], $0x5FFFF  }
0xac: {  	[dreg:$0x1] =	wrdreg $0xFFFFFFFF  }
0xad: {  	[dreg:$0x0] =	wrdreg $0x60  }
0xae: {  	[dreg:$0x2] =	wrdreg s24  }
0xaf: {  	[dreg:$0x3] =	wrdreg $0x90000  }
0xb0: {  	[dreg:$0x4] =	wrdreg $0x9  }
0xb1: {  	_ =	task.clear_ibuf [dreg:s6], $0x5FFFF;
	_ =	strace $0x90000049  }
0xb2: {  	s29 =	simm.s32 $0x9;
	_ =	strace $0x8000004B  }
0xb3: {  	_ =	swait.ge [sflag:s29], $0x1  }
0xb4: {  	[sflag:s29] =	ssyncadd.s32 $0xFFFFFFFF  }
0xb5: {  	_ =	strace $0x9000004B  }
0xb6: {  	_ =	sfence  }
0xb7: {  	s30 =	sld [smem:$0x0];
	_ =	sdelay $0x2  }
0xb8: {  	s31 =	sshll.u32 s1, $0xD;
	s1 =	sshrl.u32 s1, $0x2  }
0xb9: {  	s3 =	sand.u32 $0x4000, s31;
	s1 =	sadd.s32 s1, s30  }
0xba: {  	s0 =	sor.u32 s3, s0;
	s1 =	sshll.u32 s1, $0x11  }
0xbb: {  	s0 =	sor.u32 s1, s0  }
0xbc: {  	s0 =	sadd.s32 $0x8F2B, s0  }
0xbd: {  	[sflag:s0] =	ssyncadd.remote.s32 $0x1  }
0xbe: {  	_ =	sfence.sel $0xFFFF  }
0xbf: {  	[dreg:$0x0] =	wrdreg $0xFFFFFFFF;
	(pc) =	sbr.abs _section_cstart, $3  }
0xc0: {  	[dreg:$0x1] =	wrdreg $0xFFFFFFFF  }
0xc1: {  	_ =	task.clear_ibuf [dreg:s6], $0x2FFFF;
	_ =	strace $0x9FFFFFFF  }
0xc2: {  	(tm) =	ssettm $0x7FFFFFFF  }
0xc3: {  	_ =	shalt  }
tec
execute0_lowered:
.L_overlay_start_1:
0x0: {  	(tag) =	ssettag $0x1  }
0x1: {  	s0 =	srdreg.scid;
	s9 =	rddreg [dreg:$0x0]  }
0x2: {  	s2 =	rddreg [dreg:$0x1];
	s1 =	stileid.u32  }
0x3: {  	s3 =	simm.s32 $0x0;
	s12 =	simm.s32 $0x2800;
	s13 =	simm.s32 $0x5000  }
0x4: {  	s17 =	simm.s32 $0x80;
	s18 =	simm.s32 $0x1;
	s21 =	simm.s32 $0x0  }
0x5: {  	s5 =	sand.u32 $0x1, s0;
	s0 =	rddreg [dreg:$0x2];
	s8 =	smul.u32 $0x4E000, s1  }
0x6: {  	[smem:$0x7FF] =	sst s3;
	s31 =	sshll.u32 s1, $0xA;
	s19 =	smul.u32 $0x2700, s1  }
0x7: {  	s16 =	sadd.s32 $0x138000, s2;
	p0 =	sne.s32 s1, $0xF;
	s14 =	sshll.u32 s1, $0x6  }
0x8: {  	s4 =	sshll.u32 s5, $0x4;
	_ =	strace $0x8000004A;
	s7 =	smul.u32 $0x27100, s5  }
0x9: {  	s5 =	ssub.s32 $0x2, s5;
	s14 =	sor.u32 $0x1C02, s14;
	s16 =	sshrl.u32 @!p0 s16, $0x3  }
0xa: {  	s4 =	sor.u32 s1, s4;
	s30 =	sshrl.u32 s5, $0x1;
	s8 =	sshrl.u32 s8, $0x2  }
0xb: {  	s6 =	smul.u32 $0x500, s4;
	s4 =	sadd.s32 $0x16E00, s9;
	s10 =	sadd.s32 s7, s9  }
0xc: {  	s11 =	ssub.s32 s5, s30;
	s7 =	sadd.s32 s31, s2;
	s15 =	sadd.s32 s8, s2  }
0xd: {  	s7 =	sadd.s32 $0x138800, s7;
	s8 =	sadd.s32 s4, s19;
	s20 =	sadd.s32 $0x3E000, s10  }
0xe: {  	s10 =	smax.u32 s11, $0x1;
	s11 =	simm.s32 $0x2;
	s15 =	sshrl.u32 s15, $0x3  }
0xf: {  	s6 =	sadd.s32 s6, s9;
	s9 =	sadd.s32 $0x3DE00, s9;
	s19 =	sadd.s32 s19, s20  }
0x10: {  	v0 =	vimm.f32 $0.0e+00;
	s20 =	sadd.s32 @!p0 $0x27000, s20;
	s5 =	sadd.s32 $0xCE00, s6;
	s6 =	sadd.s32 $0x2E00, s6  }
.LBB2_1:
0x11: {  	[tilespmem:s3], [sflag:$0x2] =	stream.linear.gather [hbm4b:s5+s3], $0x2780, $0x38;
	[tilespmem:$0x1CC80] =	vst v63  }
0x12: {  	_ =	swait.ge [sflag:s11], $0x2780  }
0x13: {  	[sflag:s11] =	ssyncset.done $0x0  }
0x14: {  	[sflag:s11] =	ssyncadd.s32 $0xFFFFD880  }
0x15: {  	[tilespmem:s12], [sflag:$0x2] =	stream.linear.gather [hbm4b:s6+s3], $0x2780, $0x38;
	[tilespmem:$0x1CC80] =	vst v63  }
0x16: {  	_ =	swait.ge [sflag:s11], $0x2780  }
0x17: {  	[sflag:s11] =	ssyncset.done $0x0  }
0x18: {  	[sflag:s11] =	ssyncadd.s32 $0xFFFFD880  }
0x19: {  	[tilespmem:$0x5000] =	vst v0  }
0x1a: {  	[tilespmem:$0x5010] =	vst v0  }
0x1b: {  	[tilespmem:$0x5020] =	vst v0  }
0x1c: {  	[tilespmem:$0x5030] =	vst v0  }
0x1d: {  	[tilespmem:$0x5040] =	vst v0  }
0x1e: {  	[tilespmem:$0x5050] =	vst v0  }
0x1f: {  	[tilespmem:$0x5060] =	vst v0  }
0x20: {  	[tilespmem:$0x5070] =	vst v0  }
0x21: {  	[tilespmem:$0x5080] =	vst v0  }
0x22: {  	[tilespmem:$0x5090] =	vst v0  }
0x23: {  	[tilespmem:$0x50A0] =	vst v0  }
0x24: {  	[tilespmem:$0x50B0] =	vst v0  }
0x25: {  	[tilespmem:$0x50C0] =	vst v0  }
0x26: {  	[tilespmem:$0x50D0] =	vst v0  }
0x27: {  	[tilespmem:$0x50E0] =	vst v0  }
0x28: {  	[tilespmem:$0x50F0] =	vst v0  }
0x29: {  	[tilespmem:$0x5100] =	vst v0  }
0x2a: {  	[tilespmem:$0x5110] =	vst v0  }
0x2b: {  	[tilespmem:$0x5120] =	vst v0  }
0x2c: {  	[tilespmem:$0x5130] =	vst v0  }
0x2d: {  	[tilespmem:$0x5140] =	vst v0  }
0x2e: {  	[tilespmem:$0x5150] =	vst v0  }
0x2f: {  	[tilespmem:$0x5160] =	vst v0  }
0x30: {  	[tilespmem:$0x5170] =	vst v0  }
0x31: {  	[tilespmem:$0x5180] =	vst v0  }
0x32: {  	[tilespmem:$0x5190] =	vst v0  }
0x33: {  	[tilespmem:$0x51A0] =	vst v0  }
0x34: {  	[tilespmem:$0x51B0] =	vst v0  }
0x35: {  	[tilespmem:$0x51C0] =	vst v0  }
0x36: {  	[tilespmem:$0x51D0] =	vst v0  }
0x37: {  	[tilespmem:$0x51E0] =	vst v0  }
0x38: {  	[tilespmem:$0x51F0] =	vst v0  }
0x39: {  	[tilespmem:$0x5200] =	vst v0  }
0x3a: {  	[tilespmem:$0x5210] =	vst v0  }
0x3b: {  	[tilespmem:$0x5220] =	vst v0  }
0x3c: {  	[tilespmem:$0x5230] =	vst v0  }
0x3d: {  	[tilespmem:$0x5240] =	vst v0  }
0x3e: {  	[tilespmem:$0x5250] =	vst v0  }
0x3f: {  	[tilespmem:$0x5260] =	vst v0  }
0x40: {  	[tilespmem:$0x5270] =	vst v0  }
0x41: {  	[tilespmem:$0x5280] =	vst v0  }
0x42: {  	[tilespmem:$0x5290] =	vst v0  }
0x43: {  	[tilespmem:$0x52A0] =	vst v0  }
0x44: {  	[tilespmem:$0x52B0] =	vst v0  }
0x45: {  	[tilespmem:$0x52C0] =	vst v0  }
0x46: {  	[tilespmem:$0x52D0] =	vst v0  }
0x47: {  	[tilespmem:$0x52E0] =	vst v0  }
0x48: {  	[tilespmem:$0x52F0] =	vst v0  }
0x49: {  	[tilespmem:$0x5300] =	vst v0  }
0x4a: {  	[tilespmem:$0x5310] =	vst v0  }
0x4b: {  	[tilespmem:$0x5320] =	vst v0  }
0x4c: {  	[tilespmem:$0x5330] =	vst v0  }
0x4d: {  	[tilespmem:$0x5340] =	vst v0  }
0x4e: {  	[tilespmem:$0x5350] =	vst v0  }
0x4f: {  	[tilespmem:$0x5360] =	vst v0  }
0x50: {  	[tilespmem:$0x5370] =	vst v0  }
0x51: {  	[tilespmem:$0x5380] =	vst v0  }
0x52: {  	[tilespmem:$0x5390] =	vst v0  }
0x53: {  	[tilespmem:$0x53A0] =	vst v0  }
0x54: {  	[tilespmem:$0x53B0] =	vst v0  }
0x55: {  	[tilespmem:$0x53C0] =	vst v0  }
0x56: {  	[tilespmem:$0x53D0] =	vst v0  }
0x57: {  	[tilespmem:$0x53E0] =	vst v0  }
0x58: {  	[tilespmem:$0x53F0] =	vst v0  }
0x59: {  	[spmem:s7] =	stream.linear.scatter [tilespmem:s13], [sflag:$0x2], $0x400, $0x38;
	[tilespmem:$0x1CC80] =	vst v63  }
0x5a: {  	_ =	swait.ge [sflag:s11], $0x400  }
0x5b: {  	[sflag:s11] =	ssyncset.done $0x0  }
0x5c: {  	[sflag:s11] =	ssyncadd.s32 $0xFFFFFC00  }
0x5d: {  	[spmem:s15], [sflag:s14] =	dma.local [hbm:s8], $0x2700  }
0x5e: {  	_ =	swait.ge [sflag:s11], $0x2700  }
0x5f: {  	[sflag:s11] =	ssyncset.done $0x0  }
0x60: {  	s22 =	simm.s32 @!p0 $0x2;
	[sflag:s11] =	ssyncadd.s32 $0xFFFFD900  }
0x61: {  	[spmem:s16], [sflag:s14] =	dma.local @!p0 [hbm:s9], $0x100  }
0x62: {  	_ =	swait.ge @!p0 [sflag:s22], $0x100  }
0x63: {  	[sflag:s22] =	ssyncset.done @!p0 $0x0  }
0x64: {  	[sflag:s22] =	ssyncadd.s32 @!p0 $0xFFFFFF00  }
0x65: {  	s30 =	simm.s32 $0x0;
	[bflag:$0x0] =	sbarrier.arrive $0xFFFF  }
0x66: {  	[tilespmem:s13], [sflag:$0x1] =	stream.indirect.gather [hbm4b:s4+s17], $0x80, s30, s17, $0xb8;
	[tilespmem:$0x1CC80] =	vst v63  }
0x67: {  	_ =	swait.ge [sflag:s18], $0x4000  }
0x68: {  	[sflag:s18] =	ssyncset.done $0x0  }
0x69: {  	s31 =	simm.s32 $0x2800;
	[sflag:s18] =	ssyncadd.s32 $0xFFFFC000  }
0x6a: {  	[spmem:s2] =	stream.indirect.scatter.add.f32 [tilespmem:s13], [sflag:$0x2], $0x80, s31, s17, $0xb8;
	[tilespmem:$0x1CC80] =	vst v63  }
0x6b: {  	_ =	swait.ge [sflag:s11], $0x4000  }
0x6c: {  	s23 =	simm.s32 $0x400;
	s22 =	simm.s32 $0x200;
	[sflag:s11] =	ssyncset.done $0x0  }
.LBB2_2:
0x6d: {  	s24 =	sshra.s32 s22, $0x2  }
0x6e: {  	[sflag:s11] =	ssyncadd.s32 $0xFFFFC000;
	s22 =	smov.u32 s23;
	s25 =	sadd.s32 $0x200, s23  }
0x6f: {  	[tilespmem:s13], [sflag:$0x1] =	stream.indirect.gather [hbm4b:s4+s17], $0x80, s24, s17, $0xb8;
	[tilespmem:$0x1CC80] =	vst v63  }
0x70: {  	p1 =	sne.s32 s23, $0x9C00;
	_ =	swait.ge [sflag:s18], $0x4000  }
.Ltmp0:
0x71: {  	[sflag:s18] =	ssyncset.done $0x0;
	(pc) =	sbr.rel @p1 .LBB2_2-.Ltmp0, $4  }
0x72: {  	s23 =	sadd.s32 $0x2800, s24;
	[sflag:s18] =	ssyncadd.s32 $0xFFFFC000  }
0x73: {  	[spmem:s2] =	stream.indirect.scatter.add.f32 [tilespmem:s13], [sflag:$0x2], $0x80, s23, s17, $0xb8;
	[tilespmem:$0x1CC80] =	vst v63  }
0x74: {  	_ =	swait.ge [sflag:s11], $0x4000  }
0x75: {  	s23 =	smov.u32 s25;
	[sflag:s11] =	ssyncset.done $0x0  }
0x76: {  	s22 =	sshra.s32 s22, $0x2;
	[sflag:s11] =	ssyncadd.s32 $0xFFFFC000  }
0x77: {  	[tilespmem:s13], [sflag:$0x1] =	stream.indirect.gather [hbm4b:s4+s17], $0x80, s22, s17, $0xb8;
	[tilespmem:$0x1CC80] =	vst v63  }
0x78: {  	_ =	swait.ge [sflag:s18], $0x4000  }
0x79: {  	[sflag:s18] =	ssyncset.done $0x0  }
0x7a: {  	s22 =	sadd.s32 $0x2800, s22;
	[sflag:s18] =	ssyncadd.s32 $0xFFFFC000  }
0x7b: {  	[spmem:s2] =	stream.indirect.scatter.add.f32 [tilespmem:s13], [sflag:$0x2], $0x80, s22, s17, $0xb8;
	[tilespmem:$0x1CC80] =	vst v63  }
0x7c: {  	_ =	swait.ge [sflag:s11], $0x4000  }
0x7d: {  	[sflag:s11] =	ssyncset.done $0x0  }
0x7e: {  	[sflag:s11] =	ssyncadd.s32 $0xFFFFC000  }
0x7f: {  	[bflag:$0x0] =	sbarrier.arrive $0xFFFF  }
0x80: {  	[hbm:s19], [sflag:s14] =	dma.local [spmem:s15], $0x2700  }
0x81: {  	s21 =	sadd.s32 $0x1, s21;
	_ =	swait.ge [sflag:s11], $0x2700  }
0x82: {  	p1 =	sne.s32 s21, s10;
	[sflag:s11] =	ssyncset.done $0x0  }
.Ltmp1:
0x83: {  	s22 =	simm.s32 @!p0 $0x2;
	[sflag:s11] =	ssyncadd.s32 $0xFFFFD900;
	(pc) =	sbr.rel @p1 .LBB2_1-.Ltmp1, $4  }
0x84: {  	[hbm:s20], [sflag:s14] =	dma.local @!p0 [spmem:s16], $0x100  }
0x85: {  	_ =	swait.ge @!p0 [sflag:s22], $0x100  }
0x86: {  	[sflag:s22] =	ssyncset.done @!p0 $0x0  }
0x87: {  	[sflag:s22] =	ssyncadd.s32 @!p0 $0xFFFFFF00  }
0x88: {  	_ =	sfence.sel $0x180000  }
0x89: {  	[bflag:$0x0] =	sbarrier.arrive $0xFFFF  }
0x8a: {  	p0 =	sne.s32 s1, $0x0;
	_ =	strace $0x9000004A  }
0x8b: {  	s0 =	sadd.s32 @!p0 $0x100000, s0;
	[bflag:$0x2] =	sbarrier.arrive $0xFFFF  }
0x8c: {  	[sflag:s0] =	ssyncadd.tile.s32 @!p0 $0x1;
	_ =	shalt  }
.Lfunc_end2:
_tile_overlayer_lowered:
.L_overlay_start_2:
0x8d: {  	(tag) =	ssettag $0x2  }
0x8e: {  	s0 =	rddreg [dreg:$0x0];
	s2 =	stileid.u32  }
0x8f: {  	s1 =	rddreg [dreg:$0x1];
	p0 =	sne.s32 s2, $0x0  }
0x90: {  	s3 =	rddreg [dreg:$0x2];
	[bflag:$0x3] =	sbarrier.arrive $0xFFFF;
	s2 =	simm.s32 @!p0 $0x1C02  }
0x91: {  	[timem:s3], [sflag:s2] =	dma.local @!p0 [hbm:s0], s1  }
0x92: {  	s0 =	simm.s32 @!p0 $0x2  }
0x93: {  	_ =	swait.ge @!p0 [sflag:s0], s1  }
0x94: {  	s1 =	ssub.s32 @!p0 $0x0, s1;
	[sflag:s0] =	ssyncset.done @!p0 $0x0  }
0x95: {  	[sflag:s0] =	ssyncadd.s32 @!p0 s1  }
0x96: {  	[bflag:$0x3] =	sbarrier.arrive $0xFFFF  }
0x97: {  	_ =	shalt  }

// kernel: kernel.15.cloned.1.call-start
scs
__scs_entry_jumppad:
0x0: {  	(pc) =	sbr.rel $0x88, $3  }
0x1: {  	(tag) =	ssettag $0x0;
	lr =	simm.s32 $0x1  }
0x2: {  	[smem:$0x3F96] =	sst lr;
	_ =	strace $0xD0000000  }
0x3: {  	_ = 	snop  }
0x4: {  	_ = 	snop  }
0x5: {  	_ = 	snop  }
0x6: {  	_ = 	snop  }
0x7: {  	_ = 	snop  }
__scs_overlays_trampoline_lowered:
0x8: {  	[smem:$0x3FA5] =	sst s0  }
0x9: {  	[smem:$0x3FA6] =	sst s1  }
0xa: {  	[smem:$0x3FA7] =	sst s2  }
0xb: {  	[smem:$0x3FA8] =	sst s3  }
0xc: {  	[smem:$0x3FA9] =	sst s4  }
0xd: {  	[smem:$0x3FAA] =	sst s5  }
0xe: {  	[smem:$0x3FAB] =	sst s6  }
0xf: {  	[smem:$0x3FAC] =	sst s7  }
0x10: {  	[smem:$0x3FAD] =	sst s8  }
0x11: {  	[smem:$0x3FAE] =	sst s9;
	s0 =	simm.s32 @!p0 $0x0  }
0x12: {  	s1 =	sld [smem:$0x3F94];
	s0 =	simm.s32 @p0 $0x1  }
0x13: {  	[smem:$0x3FAF] =	sst s0;
	s0 =	simm.s32 @!p1 $0x0  }
0x14: {  	s2 =	sld [smem:$0x3F93];
	s0 =	simm.s32 @p1 $0x1  }
0x15: {  	[smem:$0x3FB0] =	sst s0;
	s0 =	simm.s32 @!p2 $0x0  }
0x16: {  	s3 =	sld [smem:$0x3FDB];
	s0 =	simm.s32 @p2 $0x1  }
0x17: {  	s4 =	simm.s32 $0x1BF5;
	[smem:$0x3FB2] =	sst s0  }
0x18: {  	s0 =	sld [smem:$0x3F95];
	_ =	swait.ge [sflag:s4], $0x0  }
0x19: {  	s7 =	sld [smem:$0x3F96]  }
0x1a: {  	s8 =	sadd.s32 $0xFFFFE003, lr  }
0x1b: {  	s9 =	sadd.s32 $0xFFFFFEF7, lr;
	s5 =	simm.s32 $0xFFFFFFFF;
	p2 =	slt.u32 s8, $0xFFFFF086  }
0x1c: {  	p1 =	slt.u32 s9, $0xF7A;
	s5 =	simm.s32 @!p2 $0x0  }
0x1d: {  	s5 =	simm.s32 @p1 $0x1;
	p0 =	seq.s32 s7, s2  }
0x1e: {  	s7 =	smul.u32 @!p0 $0xF7A, s2;
	p2 =	seq.s32 @!p0 s5, $0x0  }
0x1f: {  	s9 =	smul.u32 $0xF7A, s1;
	s8 =	simm.s32 @!p0 $0x1BF5;
	p2 =	por !p2, p0  }
0x20: {  	[sflag:s8] =	ssyncset.s32 @!p0 $0xFFFFF086;
	s6 =	sadd.s32 @!p0 s3, s7;
	s7 =	simm.s32 @!p0 $0x108  }
0x21: {  	s3 =	sadd.s32 s3, s9;
	s6 =	sadd.s32 @!p0 $0x88, s6;
	s7 =	simm.s32 @p2 $0x1082  }
0x22: {  	[simem:s7], [sflag:s8] =	dma.local @!p0 [hbm:s6], $0xF7A  }
0x23: {  	s9 =	sor.u32 $0xD0000000, s2;
	s6 =	simm.s32 $0x108;
	_ =	swait.ge @!p0 [sflag:s8], $0x0  }
0x24: {  	s3 =	sadd.s32 $0x88, s3;
	s6 =	simm.s32 @!p1 $0x1082;
	[sflag:s4] =	ssyncset.s32 $0xFFFFF086  }
0x25: {  	[simem:s6], [sflag:s4] =	dma.local [hbm:s3], $0xF7A  }
0x26: {  	[smem:$0x3F96] =	sst s1;
	(tag) =	ssettag s2;
	_ =	strace s9  }
0x27: {  	s1 =	sld [smem:$0x3FA6]  }
0x28: {  	s2 =	sld [smem:$0x3FA7]  }
0x29: {  	s4 =	sld [smem:$0x3FA9]  }
0x2a: {  	p0 =	seq.s32 s5, $0x0;
	s5 =	sld [smem:$0x3FAA]  }
0x2b: {  	s6 =	sld [smem:$0x3FAB]  }
0x2c: {  	s7 =	sld [smem:$0x3FAC]  }
0x2d: {  	s3 =	simm.s32 $0x108;
	s8 =	sld [smem:$0x3FAD]  }
0x2e: {  	s3 =	simm.s32 @!p0 $0x1082;
	s9 =	sld [smem:$0x3FAE]  }
0x2f: {  	lr =	sadd.s32 s0, s3;
	s0 =	sld [smem:$0x3FA5]  }
0x30: {  	s3 =	sld [smem:$0x3FA8]  }
0x31: {  	[smem:$0x3FB1] =	sst s10  }
0x32: {  	s10 =	sld [smem:$0x3FAF];
	_ =	sdelay $0x3  }
0x33: {  	p0 =	seq.s32 s10, $0x1;
	s10 =	sld [smem:$0x3FB1];
	_ =	sdelay $0x3  }
0x34: {  	[smem:$0x3FB1] =	sst s10  }
0x35: {  	s10 =	sld [smem:$0x3FB0];
	_ =	sdelay $0x3  }
0x36: {  	p1 =	seq.s32 s10, $0x1;
	s10 =	sld [smem:$0x3FB1];
	_ =	sdelay $0x3  }
0x37: {  	[smem:$0x3FB1] =	sst s10  }
0x38: {  	s10 =	sld [smem:$0x3FB2]  }
0x39: {  	_ = 	snop;
	(pc) =	sbr.ind lr, $3  }
0x3a: {  	_ = 	snop  }
0x3b: {  	_ = 	snop  }
0x3c: {  	p2 =	seq.s32 s10, $0x1;
	s10 =	sld [smem:$0x3FB1]  }
0x3d: {  	_ =	shalt  }
0x3e: {  	_ =	shalt  }
0x3f: {  	_ =	shalt  }
0x40: {  	_ =	shalt  }
0x41: {  	_ =	shalt  }
0x42: {  	_ =	shalt  }
0x43: {  	_ =	shalt  }
0x44: {  	_ =	shalt  }
0x45: {  	_ =	shalt  }
0x46: {  	_ =	shalt  }
0x47: {  	_ =	shalt  }
0x48: {  	_ =	shalt  }
0x49: {  	_ =	shalt  }
0x4a: {  	_ =	shalt  }
0x4b: {  	_ =	shalt  }
0x4c: {  	_ =	shalt  }
0x4d: {  	_ =	shalt  }
0x4e: {  	_ =	shalt  }
0x4f: {  	_ =	shalt  }
0x50: {  	_ =	shalt  }
0x51: {  	_ =	shalt  }
0x52: {  	_ =	shalt  }
0x53: {  	_ =	shalt  }
0x54: {  	_ =	shalt  }
0x55: {  	_ =	shalt  }
0x56: {  	_ =	shalt  }
0x57: {  	_ =	shalt  }
0x58: {  	_ =	shalt  }
0x59: {  	_ =	shalt  }
0x5a: {  	_ =	shalt  }
0x5b: {  	_ =	shalt  }
0x5c: {  	_ =	shalt  }
0x5d: {  	_ =	shalt  }
0x5e: {  	_ =	shalt  }
0x5f: {  	_ =	shalt  }
0x60: {  	_ =	shalt  }
0x61: {  	_ =	shalt  }
0x62: {  	_ =	shalt  }
0x63: {  	_ =	shalt  }
0x64: {  	_ =	shalt  }
0x65: {  	_ =	shalt  }
0x66: {  	_ =	shalt  }
0x67: {  	_ =	shalt  }
0x68: {  	_ =	shalt  }
0x69: {  	_ =	shalt  }
0x6a: {  	_ =	shalt  }
0x6b: {  	_ =	shalt  }
0x6c: {  	_ =	shalt  }
0x6d: {  	_ =	shalt  }
0x6e: {  	_ =	shalt  }
0x6f: {  	_ =	shalt  }
0x70: {  	_ =	shalt  }
0x71: {  	_ =	shalt  }
0x72: {  	_ =	shalt  }
0x73: {  	_ =	shalt  }
0x74: {  	_ =	shalt  }
0x75: {  	_ =	shalt  }
0x76: {  	_ =	shalt  }
0x77: {  	_ =	shalt  }
0x78: {  	_ =	shalt  }
0x79: {  	_ =	shalt  }
0x7a: {  	_ =	shalt  }
0x7b: {  	_ =	shalt  }
0x7c: {  	_ =	shalt  }
0x7d: {  	_ =	shalt  }
0x7e: {  	_ =	shalt  }
0x7f: {  	_ =	shalt  }
0x80: {  	_ =	shalt  }
0x81: {  	_ =	shalt  }
0x82: {  	_ =	shalt  }
0x83: {  	_ =	shalt  }
0x84: {  	_ =	shalt  }
0x85: {  	_ =	shalt  }
0x86: {  	_ =	shalt  }
0x87: {  	_ =	shalt  }
.Lfunc_end0:
.L_simem_size_0:
called_computation.2_lowered:
.L_overlay_start_0:
0x88: {  	s2 =	sld [smem:$0x3FD9]  }
0x89: {  	s3 =	sld [smem:$0x3FFE];
	_ =	sdelay $0x1  }
0x8a: {  	s1 =	srdreg.scid  }
0x8b: {  	s0 =	sand.u32 $0x1, s1  }
0x8c: {  	s16 =	sshll.u32 s0, $0xA;
	s2 =	sadd.s32 s3, s2  }
0x8d: {  	s2 =	sadd.s32 s2, s16  }
0x8e: {  	[smem:$0x3FBD] =	sst s2  }
0x8f: {  	_ = 	snop  }
0x90: {  	(tm) =	ssettm $0x1  }
0x91: {  	s17 =	sld [smem:$0x3FFB];
	_ =	sdelay $0x3  }
0x92: {  	_ =	strace s17  }
0x93: {  	s2 =	sld [smem:$0x3FFC];
	_ =	sdelay $0x3  }
0x94: {  	_ =	strace s2  }
0x95: {  	s2 =	sld [smem:$0x3FFD];
	_ =	sdelay $0x3  }
0x96: {  	_ =	strace s2  }
0x97: {  	_ =	strace $0x8FFFFFFF  }
0x98: {  	s18 =	sld [smem:$0x3FDB];
	_ =	sdelay $0x1  }
0x99: {  	s19 =	simm.s32 $_scs_section_size  }
0x9a: {  	s4 =	simm.s32 $_size__tile_overlayer_lowered;
	s5 =	simm.s32 $_tile_overlayer_lowered  }
0x9b: {  	s22 =	simm.s32 $0x1BFF;
	s21 =	sshll.u32 s5, $0x1;
	s2 =	sadd.s32 s19, s18  }
0x9c: {  	s6 =	simm.s32 $0x0;
	s20 =	sshll.u32 s4, $0x1;
	s4 =	sadd.s32 s21, s2  }
0x9d: {  	[timem:s6], [sflag:s22] =	dma.local [hbm:s4], s20  }
0x9e: {  	_ =	swait.ge [sflag:s22], s20  }
0x9f: {  	s3 =	ssub.s32 $0x0, s20;
	[sflag:s22] =	ssyncset.done $0x0  }
0xa0: {  	[sflag:s22] =	ssyncadd.s32 s3;
	_ =	sdelay $0x1  }
0xa1: {  	s23 =	simm.s32 $0x1B8B  }
0xa2: {  	_ =	swait.ge [sflag:s23], $0x1  }
0xa3: {  	[sflag:s23] =	ssyncset.done $0x0  }
0xa4: {  	s25 =	simm.s32 $0x1B8E;
	s24 =	sld [smem:$0x3FFE];
	[sflag:s23] =	ssyncadd.s32 $0xFFFFFFFF  }
0xa5: {  	s26 =	simm.s32 $execute0_lowered;
	[smem:$0x3FD2] =	sst s25  }
0xa6: {  	s4 =	sshll.u32 s26, $0x1;
	_ =	strace $0x8000004C;
	[dreg:$0x1] =	wrdreg $0xFFFFFFFF  }
0xa7: {  	s28 =	simm.s32 $_size_execute0_lowered;
	s2 =	sadd.s32 s2, s4;
	[dreg:$0x0] =	wrdreg $0x0  }
0xa8: {  	s4 =	sshll.u32 s28, $0x1;
	[dreg:$0x2] =	wrdreg s2  }
0xa9: {  	[dreg:$0x3] =	wrdreg s4  }
0xaa: {  	[dreg:$0x4] =	wrdreg $0xC0  }
0xab: {  	_ =	task [dreg:s6], $0x5FFFF  }
0xac: {  	[dreg:$0x1] =	wrdreg $0xFFFFFFFF  }
0xad: {  	[dreg:$0x0] =	wrdreg $0x60  }
0xae: {  	[dreg:$0x2] =	wrdreg s24  }
0xaf: {  	[dreg:$0x3] =	wrdreg $0x90000  }
0xb0: {  	[dreg:$0x4] =	wrdreg $0x9  }
0xb1: {  	_ =	task.clear_ibuf [dreg:s6], $0x5FFFF;
	_ =	strace $0x9000004C  }
0xb2: {  	s29 =	simm.s32 $0x9;
	_ =	strace $0x8000004E  }
0xb3: {  	_ =	swait.ge [sflag:s29], $0x1  }
0xb4: {  	[sflag:s29] =	ssyncadd.s32 $0xFFFFFFFF  }
0xb5: {  	_ =	strace $0x9000004E  }
0xb6: {  	_ =	sfence  }
0xb7: {  	s30 =	sld [smem:$0x0];
	_ =	sdelay $0x2  }
0xb8: {  	s31 =	sshll.u32 s1, $0xD;
	s1 =	sshrl.u32 s1, $0x2  }
0xb9: {  	s3 =	sand.u32 $0x4000, s31;
	s1 =	sadd.s32 s1, s30  }
0xba: {  	s0 =	sor.u32 s3, s0;
	s1 =	sshll.u32 s1, $0x11  }
0xbb: {  	s0 =	sor.u32 s1, s0  }
0xbc: {  	s0 =	sadd.s32 $0x8F2B, s0  }
0xbd: {  	[sflag:s0] =	ssyncadd.remote.s32 $0x1  }
0xbe: {  	_ =	sfence.sel $0xFFFF  }
0xbf: {  	[dreg:$0x0] =	wrdreg $0xFFFFFFFF;
	(pc) =	sbr.abs _section_cstart, $3  }
0xc0: {  	[dreg:$0x1] =	wrdreg $0xFFFFFFFF  }
0xc1: {  	_ =	task.clear_ibuf [dreg:s6], $0x2FFFF;
	_ =	strace $0x9FFFFFFF  }
0xc2: {  	(tm) =	ssettm $0x7FFFFFFF  }
0xc3: {  	_ =	shalt  }
tec
execute0_lowered:
.L_overlay_start_1:
0x0: {  	(tag) =	ssettag $0x1  }
0x1: {  	s0 =	srdreg.scid;
	s9 =	rddreg [dreg:$0x0]  }
0x2: {  	s2 =	rddreg [dreg:$0x1];
	s1 =	stileid.u32  }
0x3: {  	s3 =	simm.s32 $0x0;
	s12 =	simm.s32 $0x2800;
	s13 =	simm.s32 $0x5000  }
0x4: {  	s17 =	simm.s32 $0x80;
	s18 =	simm.s32 $0x1;
	s21 =	simm.s32 $0x0  }
0x5: {  	s5 =	sand.u32 $0x1, s0;
	s0 =	rddreg [dreg:$0x2];
	s8 =	smul.u32 $0x4E000, s1  }
0x6: {  	[smem:$0x7FF] =	sst s3;
	s31 =	sshll.u32 s1, $0xA;
	s19 =	smul.u32 $0x2700, s1  }
0x7: {  	s16 =	sadd.s32 $0x138000, s2;
	p0 =	sne.s32 s1, $0xF;
	s14 =	sshll.u32 s1, $0x6  }
0x8: {  	s4 =	sshll.u32 s5, $0x4;
	_ =	strace $0x8000004D;
	s7 =	smul.u32 $0x27100, s5  }
0x9: {  	s5 =	ssub.s32 $0x2, s5;
	s14 =	sor.u32 $0x1C02, s14;
	s16 =	sshrl.u32 @!p0 s16, $0x3  }
0xa: {  	s4 =	sor.u32 s1, s4;
	s30 =	sshrl.u32 s5, $0x1;
	s8 =	sshrl.u32 s8, $0x2  }
0xb: {  	s6 =	smul.u32 $0x500, s4;
	s4 =	sadd.s32 $0x16E00, s9;
	s10 =	sadd.s32 s7, s9  }
0xc: {  	s11 =	ssub.s32 s5, s30;
	s7 =	sadd.s32 s31, s2;
	s15 =	sadd.s32 s8, s2  }
0xd: {  	s7 =	sadd.s32 $0x138800, s7;
	s8 =	sadd.s32 s4, s19;
	s20 =	sadd.s32 $0x3E000, s10  }
0xe: {  	s10 =	smax.u32 s11, $0x1;
	s11 =	simm.s32 $0x2;
	s15 =	sshrl.u32 s15, $0x3  }
0xf: {  	s6 =	sadd.s32 s6, s9;
	s9 =	sadd.s32 $0x3DE00, s9;
	s19 =	sadd.s32 s19, s20  }
0x10: {  	v0 =	vimm.f32 $0.0e+00;
	s20 =	sadd.s32 @!p0 $0x27000, s20;
	s5 =	sadd.s32 $0xCE00, s6;
	s6 =	sadd.s32 $0x2E00, s6  }
.LBB2_1:
0x11: {  	[tilespmem:s3], [sflag:$0x2] =	stream.linear.gather [hbm4b:s5+s3], $0x2780, $0x38;
	[tilespmem:$0x1CC80] =	vst v63  }
0x12: {  	_ =	swait.ge [sflag:s11], $0x2780  }
0x13: {  	[sflag:s11] =	ssyncset.done $0x0  }
0x14: {  	[sflag:s11] =	ssyncadd.s32 $0xFFFFD880  }
0x15: {  	[tilespmem:s12], [sflag:$0x2] =	stream.linear.gather [hbm4b:s6+s3], $0x2780, $0x38;
	[tilespmem:$0x1CC80] =	vst v63  }
0x16: {  	_ =	swait.ge [sflag:s11], $0x2780  }
0x17: {  	[sflag:s11] =	ssyncset.done $0x0  }
0x18: {  	[sflag:s11] =	ssyncadd.s32 $0xFFFFD880  }
0x19: {  	[tilespmem:$0x5000] =	vst v0  }
0x1a: {  	[tilespmem:$0x5010] =	vst v0  }
0x1b: {  	[tilespmem:$0x5020] =	vst v0  }
0x1c: {  	[tilespmem:$0x5030] =	vst v0  }
0x1d: {  	[tilespmem:$0x5040] =	vst v0  }
0x1e: {  	[tilespmem:$0x5050] =	vst v0  }
0x1f: {  	[tilespmem:$0x5060] =	vst v0  }
0x20: {  	[tilespmem:$0x5070] =	vst v0  }
0x21: {  	[tilespmem:$0x5080] =	vst v0  }
0x22: {  	[tilespmem:$0x5090] =	vst v0  }
0x23: {  	[tilespmem:$0x50A0] =	vst v0  }
0x24: {  	[tilespmem:$0x50B0] =	vst v0  }
0x25: {  	[tilespmem:$0x50C0] =	vst v0  }
0x26: {  	[tilespmem:$0x50D0] =	vst v0  }
0x27: {  	[tilespmem:$0x50E0] =	vst v0  }
0x28: {  	[tilespmem:$0x50F0] =	vst v0  }
0x29: {  	[tilespmem:$0x5100] =	vst v0  }
0x2a: {  	[tilespmem:$0x5110] =	vst v0  }
0x2b: {  	[tilespmem:$0x5120] =	vst v0  }
0x2c: {  	[tilespmem:$0x5130] =	vst v0  }
0x2d: {  	[tilespmem:$0x5140] =	vst v0  }
0x2e: {  	[tilespmem:$0x5150] =	vst v0  }
0x2f: {  	[tilespmem:$0x5160] =	vst v0  }
0x30: {  	[tilespmem:$0x5170] =	vst v0  }
0x31: {  	[tilespmem:$0x5180] =	vst v0  }
0x32: {  	[tilespmem:$0x5190] =	vst v0  }
0x33: {  	[tilespmem:$0x51A0] =	vst v0  }
0x34: {  	[tilespmem:$0x51B0] =	vst v0  }
0x35: {  	[tilespmem:$0x51C0] =	vst v0  }
0x36: {  	[tilespmem:$0x51D0] =	vst v0  }
0x37: {  	[tilespmem:$0x51E0] =	vst v0  }
0x38: {  	[tilespmem:$0x51F0] =	vst v0  }
0x39: {  	[tilespmem:$0x5200] =	vst v0  }
0x3a: {  	[tilespmem:$0x5210] =	vst v0  }
0x3b: {  	[tilespmem:$0x5220] =	vst v0  }
0x3c: {  	[tilespmem:$0x5230] =	vst v0  }
0x3d: {  	[tilespmem:$0x5240] =	vst v0  }
0x3e: {  	[tilespmem:$0x5250] =	vst v0  }
0x3f: {  	[tilespmem:$0x5260] =	vst v0  }
0x40: {  	[tilespmem:$0x5270] =	vst v0  }
0x41: {  	[tilespmem:$0x5280] =	vst v0  }
0x42: {  	[tilespmem:$0x5290] =	vst v0  }
0x43: {  	[tilespmem:$0x52A0] =	vst v0  }
0x44: {  	[tilespmem:$0x52B0] =	vst v0  }
0x45: {  	[tilespmem:$0x52C0] =	vst v0  }
0x46: {  	[tilespmem:$0x52D0] =	vst v0  }
0x47: {  	[tilespmem:$0x52E0] =	vst v0  }
0x48: {  	[tilespmem:$0x52F0] =	vst v0  }
0x49: {  	[tilespmem:$0x5300] =	vst v0  }
0x4a: {  	[tilespmem:$0x5310] =	vst v0  }
0x4b: {  	[tilespmem:$0x5320] =	vst v0  }
0x4c: {  	[tilespmem:$0x5330] =	vst v0  }
0x4d: {  	[tilespmem:$0x5340] =	vst v0  }
0x4e: {  	[tilespmem:$0x5350] =	vst v0  }
0x4f: {  	[tilespmem:$0x5360] =	vst v0  }
0x50: {  	[tilespmem:$0x5370] =	vst v0  }
0x51: {  	[tilespmem:$0x5380] =	vst v0  }
0x52: {  	[tilespmem:$0x5390] =	vst v0  }
0x53: {  	[tilespmem:$0x53A0] =	vst v0  }
0x54: {  	[tilespmem:$0x53B0] =	vst v0  }
0x55: {  	[tilespmem:$0x53C0] =	vst v0  }
0x56: {  	[tilespmem:$0x53D0] =	vst v0  }
0x57: {  	[tilespmem:$0x53E0] =	vst v0  }
0x58: {  	[tilespmem:$0x53F0] =	vst v0  }
0x59: {  	[spmem:s7] =	stream.linear.scatter [tilespmem:s13], [sflag:$0x2], $0x400, $0x38;
	[tilespmem:$0x1CC80] =	vst v63  }
0x5a: {  	_ =	swait.ge [sflag:s11], $0x400  }
0x5b: {  	[sflag:s11] =	ssyncset.done $0x0  }
0x5c: {  	[sflag:s11] =	ssyncadd.s32 $0xFFFFFC00  }
0x5d: {  	[spmem:s15], [sflag:s14] =	dma.local [hbm:s8], $0x2700  }
0x5e: {  	_ =	swait.ge [sflag:s11], $0x2700  }
0x5f: {  	[sflag:s11] =	ssyncset.done $0x0  }
0x60: {  	s22 =	simm.s32 @!p0 $0x2;
	[sflag:s11] =	ssyncadd.s32 $0xFFFFD900  }
0x61: {  	[spmem:s16], [sflag:s14] =	dma.local @!p0 [hbm:s9], $0x100  }
0x62: {  	_ =	swait.ge @!p0 [sflag:s22], $0x100  }
0x63: {  	[sflag:s22] =	ssyncset.done @!p0 $0x0  }
0x64: {  	[sflag:s22] =	ssyncadd.s32 @!p0 $0xFFFFFF00  }
0x65: {  	s30 =	simm.s32 $0x0;
	[bflag:$0x0] =	sbarrier.arrive $0xFFFF  }
0x66: {  	[tilespmem:s13], [sflag:$0x1] =	stream.indirect.gather [hbm4b:s4+s17], $0x80, s30, s17, $0xb8;
	[tilespmem:$0x1CC80] =	vst v63  }
0x67: {  	_ =	swait.ge [sflag:s18], $0x4000  }
0x68: {  	[sflag:s18] =	ssyncset.done $0x0  }
0x69: {  	s31 =	simm.s32 $0x2800;
	[sflag:s18] =	ssyncadd.s32 $0xFFFFC000  }
0x6a: {  	[spmem:s2] =	stream.indirect.scatter.add.f32 [tilespmem:s13], [sflag:$0x2], $0x80, s31, s17, $0xb8;
	[tilespmem:$0x1CC80] =	vst v63  }
0x6b: {  	_ =	swait.ge [sflag:s11], $0x4000  }
0x6c: {  	s23 =	simm.s32 $0x400;
	s22 =	simm.s32 $0x200;
	[sflag:s11] =	ssyncset.done $0x0  }
.LBB2_2:
0x6d: {  	s24 =	sshra.s32 s22, $0x2  }
0x6e: {  	[sflag:s11] =	ssyncadd.s32 $0xFFFFC000;
	s22 =	smov.u32 s23;
	s25 =	sadd.s32 $0x200, s23  }
0x6f: {  	[tilespmem:s13], [sflag:$0x1] =	stream.indirect.gather [hbm4b:s4+s17], $0x80, s24, s17, $0xb8;
	[tilespmem:$0x1CC80] =	vst v63  }
0x70: {  	p1 =	sne.s32 s23, $0x9C00;
	_ =	swait.ge [sflag:s18], $0x4000  }
.Ltmp0:
0x71: {  	[sflag:s18] =	ssyncset.done $0x0;
	(pc) =	sbr.rel @p1 .LBB2_2-.Ltmp0, $4  }
0x72: {  	s23 =	sadd.s32 $0x2800, s24;
	[sflag:s18] =	ssyncadd.s32 $0xFFFFC000  }
0x73: {  	[spmem:s2] =	stream.indirect.scatter.add.f32 [tilespmem:s13], [sflag:$0x2], $0x80, s23, s17, $0xb8;
	[tilespmem:$0x1CC80] =	vst v63  }
0x74: {  	_ =	swait.ge [sflag:s11], $0x4000  }
0x75: {  	s23 =	smov.u32 s25;
	[sflag:s11] =	ssyncset.done $0x0  }
0x76: {  	s22 =	sshra.s32 s22, $0x2;
	[sflag:s11] =	ssyncadd.s32 $0xFFFFC000  }
0x77: {  	[tilespmem:s13], [sflag:$0x1] =	stream.indirect.gather [hbm4b:s4+s17], $0x80, s22, s17, $0xb8;
	[tilespmem:$0x1CC80] =	vst v63  }
0x78: {  	_ =	swait.ge [sflag:s18], $0x4000  }
0x79: {  	[sflag:s18] =	ssyncset.done $0x0  }
0x7a: {  	s22 =	sadd.s32 $0x2800, s22;
	[sflag:s18] =	ssyncadd.s32 $0xFFFFC000  }
0x7b: {  	[spmem:s2] =	stream.indirect.scatter.add.f32 [tilespmem:s13], [sflag:$0x2], $0x80, s22, s17, $0xb8;
	[tilespmem:$0x1CC80] =	vst v63  }
0x7c: {  	_ =	swait.ge [sflag:s11], $0x4000  }
0x7d: {  	[sflag:s11] =	ssyncset.done $0x0  }
0x7e: {  	[sflag:s11] =	ssyncadd.s32 $0xFFFFC000  }
0x7f: {  	[bflag:$0x0] =	sbarrier.arrive $0xFFFF  }
0x80: {  	[hbm:s19], [sflag:s14] =	dma.local [spmem:s15], $0x2700  }
0x81: {  	s21 =	sadd.s32 $0x1, s21;
	_ =	swait.ge [sflag:s11], $0x2700  }
0x82: {  	p1 =	sne.s32 s21, s10;
	[sflag:s11] =	ssyncset.done $0x0  }
.Ltmp1:
0x83: {  	s22 =	simm.s32 @!p0 $0x2;
	[sflag:s11] =	ssyncadd.s32 $0xFFFFD900;
	(pc) =	sbr.rel @p1 .LBB2_1-.Ltmp1, $4  }
0x84: {  	[hbm:s20], [sflag:s14] =	dma.local @!p0 [spmem:s16], $0x100  }
0x85: {  	_ =	swait.ge @!p0 [sflag:s22], $0x100  }
0x86: {  	[sflag:s22] =	ssyncset.done @!p0 $0x0  }
0x87: {  	[sflag:s22] =	ssyncadd.s32 @!p0 $0xFFFFFF00  }
0x88: {  	_ =	sfence.sel $0x180000  }
0x89: {  	[bflag:$0x0] =	sbarrier.arrive $0xFFFF  }
0x8a: {  	p0 =	sne.s32 s1, $0x0;
	_ =	strace $0x9000004D  }
0x8b: {  	s0 =	sadd.s32 @!p0 $0x100000, s0;
	[bflag:$0x2] =	sbarrier.arrive $0xFFFF  }
0x8c: {  	[sflag:s0] =	ssyncadd.tile.s32 @!p0 $0x1;
	_ =	shalt  }
.Lfunc_end2:
_tile_overlayer_lowered:
.L_overlay_start_2:
0x8d: {  	(tag) =	ssettag $0x2  }
0x8e: {  	s0 =	rddreg [dreg:$0x0];
	s2 =	stileid.u32  }
0x8f: {  	s1 =	rddreg [dreg:$0x1];
	p0 =	sne.s32 s2, $0x0  }
0x90: {  	s3 =	rddreg [dreg:$0x2];
	[bflag:$0x3] =	sbarrier.arrive $0xFFFF;
	s2 =	simm.s32 @!p0 $0x1C02  }
0x91: {  	[timem:s3], [sflag:s2] =	dma.local @!p0 [hbm:s0], s1  }
0x92: {  	s0 =	simm.s32 @!p0 $0x2  }
0x93: {  	_ =	swait.ge @!p0 [sflag:s0], s1  }
0x94: {  	s1 =	ssub.s32 @!p0 $0x0, s1;
	[sflag:s0] =	ssyncset.done @!p0 $0x0  }
0x95: {  	[sflag:s0] =	ssyncadd.s32 @!p0 s1  }
0x96: {  	[bflag:$0x3] =	sbarrier.arrive $0xFFFF  }
0x97: {  	_ =	shalt  }

// kernel: kernel.9.cloned.1.call-start
scs
__scs_entry_jumppad:
0x0: {  	(pc) =	sbr.rel $0x88, $3  }
0x1: {  	(tag) =	ssettag $0x0;
	lr =	simm.s32 $0x1  }
0x2: {  	[smem:$0x3F96] =	sst lr;
	_ =	strace $0xD0000000  }
0x3: {  	_ = 	snop  }
0x4: {  	_ = 	snop  }
0x5: {  	_ = 	snop  }
0x6: {  	_ = 	snop  }
0x7: {  	_ = 	snop  }
__scs_overlays_trampoline_lowered:
0x8: {  	[smem:$0x3FA5] =	sst s0  }
0x9: {  	[smem:$0x3FA6] =	sst s1  }
0xa: {  	[smem:$0x3FA7] =	sst s2  }
0xb: {  	[smem:$0x3FA8] =	sst s3  }
0xc: {  	[smem:$0x3FA9] =	sst s4  }
0xd: {  	[smem:$0x3FAA] =	sst s5  }
0xe: {  	[smem:$0x3FAB] =	sst s6  }
0xf: {  	[smem:$0x3FAC] =	sst s7  }
0x10: {  	[smem:$0x3FAD] =	sst s8  }
0x11: {  	[smem:$0x3FAE] =	sst s9;
	s0 =	simm.s32 @!p0 $0x0  }
0x12: {  	s1 =	sld [smem:$0x3F94];
	s0 =	simm.s32 @p0 $0x1  }
0x13: {  	[smem:$0x3FAF] =	sst s0;
	s0 =	simm.s32 @!p1 $0x0  }
0x14: {  	s2 =	sld [smem:$0x3F93];
	s0 =	simm.s32 @p1 $0x1  }
0x15: {  	[smem:$0x3FB0] =	sst s0;
	s0 =	simm.s32 @!p2 $0x0  }
0x16: {  	s3 =	sld [smem:$0x3FDB];
	s0 =	simm.s32 @p2 $0x1  }
0x17: {  	s4 =	simm.s32 $0x1BF5;
	[smem:$0x3FB2] =	sst s0  }
0x18: {  	s0 =	sld [smem:$0x3F95];
	_ =	swait.ge [sflag:s4], $0x0  }
0x19: {  	s7 =	sld [smem:$0x3F96]  }
0x1a: {  	s8 =	sadd.s32 $0xFFFFE003, lr  }
0x1b: {  	s9 =	sadd.s32 $0xFFFFFEF7, lr;
	s5 =	simm.s32 $0xFFFFFFFF;
	p2 =	slt.u32 s8, $0xFFFFF086  }
0x1c: {  	p1 =	slt.u32 s9, $0xF7A;
	s5 =	simm.s32 @!p2 $0x0  }
0x1d: {  	s5 =	simm.s32 @p1 $0x1;
	p0 =	seq.s32 s7, s2  }
0x1e: {  	s7 =	smul.u32 @!p0 $0xF7A, s2;
	p2 =	seq.s32 @!p0 s5, $0x0  }
0x1f: {  	s9 =	smul.u32 $0xF7A, s1;
	s8 =	simm.s32 @!p0 $0x1BF5;
	p2 =	por !p2, p0  }
0x20: {  	[sflag:s8] =	ssyncset.s32 @!p0 $0xFFFFF086;
	s6 =	sadd.s32 @!p0 s3, s7;
	s7 =	simm.s32 @!p0 $0x108  }
0x21: {  	s3 =	sadd.s32 s3, s9;
	s6 =	sadd.s32 @!p0 $0x88, s6;
	s7 =	simm.s32 @p2 $0x1082  }
0x22: {  	[simem:s7], [sflag:s8] =	dma.local @!p0 [hbm:s6], $0xF7A  }
0x23: {  	s9 =	sor.u32 $0xD0000000, s2;
	s6 =	simm.s32 $0x108;
	_ =	swait.ge @!p0 [sflag:s8], $0x0  }
0x24: {  	s3 =	sadd.s32 $0x88, s3;
	s6 =	simm.s32 @!p1 $0x1082;
	[sflag:s4] =	ssyncset.s32 $0xFFFFF086  }
0x25: {  	[simem:s6], [sflag:s4] =	dma.local [hbm:s3], $0xF7A  }
0x26: {  	[smem:$0x3F96] =	sst s1;
	(tag) =	ssettag s2;
	_ =	strace s9  }
0x27: {  	s1 =	sld [smem:$0x3FA6]  }
0x28: {  	s2 =	sld [smem:$0x3FA7]  }
0x29: {  	s4 =	sld [smem:$0x3FA9]  }
0x2a: {  	p0 =	seq.s32 s5, $0x0;
	s5 =	sld [smem:$0x3FAA]  }
0x2b: {  	s6 =	sld [smem:$0x3FAB]  }
0x2c: {  	s7 =	sld [smem:$0x3FAC]  }
0x2d: {  	s3 =	simm.s32 $0x108;
	s8 =	sld [smem:$0x3FAD]  }
0x2e: {  	s3 =	simm.s32 @!p0 $0x1082;
	s9 =	sld [smem:$0x3FAE]  }
0x2f: {  	lr =	sadd.s32 s0, s3;
	s0 =	sld [smem:$0x3FA5]  }
0x30: {  	s3 =	sld [smem:$0x3FA8]  }
0x31: {  	[smem:$0x3FB1] =	sst s10  }
0x32: {  	s10 =	sld [smem:$0x3FAF];
	_ =	sdelay $0x3  }
0x33: {  	p0 =	seq.s32 s10, $0x1;
	s10 =	sld [smem:$0x3FB1];
	_ =	sdelay $0x3  }
0x34: {  	[smem:$0x3FB1] =	sst s10  }
0x35: {  	s10 =	sld [smem:$0x3FB0];
	_ =	sdelay $0x3  }
0x36: {  	p1 =	seq.s32 s10, $0x1;
	s10 =	sld [smem:$0x3FB1];
	_ =	sdelay $0x3  }
0x37: {  	[smem:$0x3FB1] =	sst s10  }
0x38: {  	s10 =	sld [smem:$0x3FB2]  }
0x39: {  	_ = 	snop;
	(pc) =	sbr.ind lr, $3  }
0x3a: {  	_ = 	snop  }
0x3b: {  	_ = 	snop  }
0x3c: {  	p2 =	seq.s32 s10, $0x1;
	s10 =	sld [smem:$0x3FB1]  }
0x3d: {  	_ =	shalt  }
0x3e: {  	_ =	shalt  }
0x3f: {  	_ =	shalt  }
0x40: {  	_ =	shalt  }
0x41: {  	_ =	shalt  }
0x42: {  	_ =	shalt  }
0x43: {  	_ =	shalt  }
0x44: {  	_ =	shalt  }
0x45: {  	_ =	shalt  }
0x46: {  	_ =	shalt  }
0x47: {  	_ =	shalt  }
0x48: {  	_ =	shalt  }
0x49: {  	_ =	shalt  }
0x4a: {  	_ =	shalt  }
0x4b: {  	_ =	shalt  }
0x4c: {  	_ =	shalt  }
0x4d: {  	_ =	shalt  }
0x4e: {  	_ =	shalt  }
0x4f: {  	_ =	shalt  }
0x50: {  	_ =	shalt  }
0x51: {  	_ =	shalt  }
0x52: {  	_ =	shalt  }
0x53: {  	_ =	shalt  }
0x54: {  	_ =	shalt  }
0x55: {  	_ =	shalt  }
0x56: {  	_ =	shalt  }
0x57: {  	_ =	shalt  }
0x58: {  	_ =	shalt  }
0x59: {  	_ =	shalt  }
0x5a: {  	_ =	shalt  }
0x5b: {  	_ =	shalt  }
0x5c: {  	_ =	shalt  }
0x5d: {  	_ =	shalt  }
0x5e: {  	_ =	shalt  }
0x5f: {  	_ =	shalt  }
0x60: {  	_ =	shalt  }
0x61: {  	_ =	shalt  }
0x62: {  	_ =	shalt  }
0x63: {  	_ =	shalt  }
0x64: {  	_ =	shalt  }
0x65: {  	_ =	shalt  }
0x66: {  	_ =	shalt  }
0x67: {  	_ =	shalt  }
0x68: {  	_ =	shalt  }
0x69: {  	_ =	shalt  }
0x6a: {  	_ =	shalt  }
0x6b: {  	_ =	shalt  }
0x6c: {  	_ =	shalt  }
0x6d: {  	_ =	shalt  }
0x6e: {  	_ =	shalt  }
0x6f: {  	_ =	shalt  }
0x70: {  	_ =	shalt  }
0x71: {  	_ =	shalt  }
0x72: {  	_ =	shalt  }
0x73: {  	_ =	shalt  }
0x74: {  	_ =	shalt  }
0x75: {  	_ =	shalt  }
0x76: {  	_ =	shalt  }
0x77: {  	_ =	shalt  }
0x78: {  	_ =	shalt  }
0x79: {  	_ =	shalt  }
0x7a: {  	_ =	shalt  }
0x7b: {  	_ =	shalt  }
0x7c: {  	_ =	shalt  }
0x7d: {  	_ =	shalt  }
0x7e: {  	_ =	shalt  }
0x7f: {  	_ =	shalt  }
0x80: {  	_ =	shalt  }
0x81: {  	_ =	shalt  }
0x82: {  	_ =	shalt  }
0x83: {  	_ =	shalt  }
0x84: {  	_ =	shalt  }
0x85: {  	_ =	shalt  }
0x86: {  	_ =	shalt  }
0x87: {  	_ =	shalt  }
.Lfunc_end0:
.L_simem_size_0:
called_computation_lowered:
.L_overlay_start_0:
0x88: {  	s2 =	sld [smem:$0x3FD9]  }
0x89: {  	s3 =	sld [smem:$0x3FFE];
	_ =	sdelay $0x1  }
0x8a: {  	s1 =	srdreg.scid  }
0x8b: {  	s0 =	sand.u32 $0x1, s1  }
0x8c: {  	s16 =	sshll.u32 s0, $0xA;
	s2 =	sadd.s32 s3, s2  }
0x8d: {  	s2 =	sadd.s32 s2, s16  }
0x8e: {  	[smem:$0x3FBD] =	sst s2  }
0x8f: {  	_ = 	snop  }
0x90: {  	(tm) =	ssettm $0x1  }
0x91: {  	s17 =	sld [smem:$0x3FFB];
	_ =	sdelay $0x3  }
0x92: {  	_ =	strace s17  }
0x93: {  	s2 =	sld [smem:$0x3FFC];
	_ =	sdelay $0x3  }
0x94: {  	_ =	strace s2  }
0x95: {  	s2 =	sld [smem:$0x3FFD];
	_ =	sdelay $0x3  }
0x96: {  	_ =	strace s2  }
0x97: {  	_ =	strace $0x8FFFFFFF  }
0x98: {  	s18 =	sld [smem:$0x3FDB];
	_ =	sdelay $0x1  }
0x99: {  	s19 =	simm.s32 $_scs_section_size  }
0x9a: {  	s4 =	simm.s32 $_size__tile_overlayer_lowered;
	s5 =	simm.s32 $_tile_overlayer_lowered  }
0x9b: {  	s22 =	simm.s32 $0x1BFF;
	s21 =	sshll.u32 s5, $0x1;
	s2 =	sadd.s32 s19, s18  }
0x9c: {  	s6 =	simm.s32 $0x0;
	s20 =	sshll.u32 s4, $0x1;
	s4 =	sadd.s32 s21, s2  }
0x9d: {  	[timem:s6], [sflag:s22] =	dma.local [hbm:s4], s20  }
0x9e: {  	_ =	swait.ge [sflag:s22], s20  }
0x9f: {  	s3 =	ssub.s32 $0x0, s20;
	[sflag:s22] =	ssyncset.done $0x0  }
0xa0: {  	[sflag:s22] =	ssyncadd.s32 s3;
	_ =	sdelay $0x1  }
0xa1: {  	s23 =	simm.s32 $0x1B8B  }
0xa2: {  	_ =	swait.ge [sflag:s23], $0x1  }
0xa3: {  	[sflag:s23] =	ssyncset.done $0x0  }
0xa4: {  	s25 =	simm.s32 $0x1B8E;
	s24 =	sld [smem:$0x3FFE];
	[sflag:s23] =	ssyncadd.s32 $0xFFFFFFFF  }
0xa5: {  	s26 =	simm.s32 $execute0_lowered;
	[smem:$0x3FD2] =	sst s25  }
0xa6: {  	s4 =	sshll.u32 s26, $0x1;
	_ =	strace $0x80000046;
	[dreg:$0x1] =	wrdreg $0xFFFFFFFF  }
0xa7: {  	s28 =	simm.s32 $_size_execute0_lowered;
	s2 =	sadd.s32 s2, s4;
	[dreg:$0x0] =	wrdreg $0x0  }
0xa8: {  	s4 =	sshll.u32 s28, $0x1;
	[dreg:$0x2] =	wrdreg s2  }
0xa9: {  	[dreg:$0x3] =	wrdreg s4  }
0xaa: {  	[dreg:$0x4] =	wrdreg $0xC0  }
0xab: {  	_ =	task [dreg:s6], $0x5FFFF  }
0xac: {  	[dreg:$0x1] =	wrdreg $0xFFFFFFFF  }
0xad: {  	[dreg:$0x0] =	wrdreg $0x60  }
0xae: {  	[dreg:$0x2] =	wrdreg s24  }
0xaf: {  	[dreg:$0x3] =	wrdreg $0x90000  }
0xb0: {  	[dreg:$0x4] =	wrdreg $0x9  }
0xb1: {  	_ =	task.clear_ibuf [dreg:s6], $0x5FFFF;
	_ =	strace $0x90000046  }
0xb2: {  	s29 =	simm.s32 $0x9;
	_ =	strace $0x80000048  }
0xb3: {  	_ =	swait.ge [sflag:s29], $0x1  }
0xb4: {  	[sflag:s29] =	ssyncadd.s32 $0xFFFFFFFF  }
0xb5: {  	_ =	strace $0x90000048  }
0xb6: {  	_ =	sfence  }
0xb7: {  	s30 =	sld [smem:$0x0];
	_ =	sdelay $0x2  }
0xb8: {  	s31 =	sshll.u32 s1, $0xD;
	s1 =	sshrl.u32 s1, $0x2  }
0xb9: {  	s3 =	sand.u32 $0x4000, s31;
	s1 =	sadd.s32 s1, s30  }
0xba: {  	s0 =	sor.u32 s3, s0;
	s1 =	sshll.u32 s1, $0x11  }
0xbb: {  	s0 =	sor.u32 s1, s0  }
0xbc: {  	s0 =	sadd.s32 $0x8F2B, s0  }
0xbd: {  	[sflag:s0] =	ssyncadd.remote.s32 $0x1  }
0xbe: {  	_ =	sfence.sel $0xFFFF  }
0xbf: {  	[dreg:$0x0] =	wrdreg $0xFFFFFFFF;
	(pc) =	sbr.abs _section_cstart, $3  }
0xc0: {  	[dreg:$0x1] =	wrdreg $0xFFFFFFFF  }
0xc1: {  	_ =	task.clear_ibuf [dreg:s6], $0x2FFFF;
	_ =	strace $0x9FFFFFFF  }
0xc2: {  	(tm) =	ssettm $0x7FFFFFFF  }
0xc3: {  	_ =	shalt  }
tec
execute0_lowered:
.L_overlay_start_1:
0x0: {  	(tag) =	ssettag $0x1  }
0x1: {  	s0 =	srdreg.scid;
	s9 =	rddreg [dreg:$0x0]  }
0x2: {  	s2 =	rddreg [dreg:$0x1];
	s1 =	stileid.u32  }
0x3: {  	s3 =	simm.s32 $0x0;
	s12 =	simm.s32 $0x2800;
	s13 =	simm.s32 $0x5000  }
0x4: {  	s17 =	simm.s32 $0x80;
	s18 =	simm.s32 $0x1;
	s21 =	simm.s32 $0x0  }
0x5: {  	s5 =	sand.u32 $0x1, s0;
	s0 =	rddreg [dreg:$0x2];
	s8 =	smul.u32 $0x4E000, s1  }
0x6: {  	[smem:$0x7FF] =	sst s3;
	s31 =	sshll.u32 s1, $0xA;
	s19 =	smul.u32 $0x2700, s1  }
0x7: {  	s16 =	sadd.s32 $0x138000, s2;
	p0 =	sne.s32 s1, $0xF;
	s14 =	sshll.u32 s1, $0x6  }
0x8: {  	s4 =	sshll.u32 s5, $0x4;
	_ =	strace $0x80000047;
	s7 =	smul.u32 $0x27100, s5  }
0x9: {  	s5 =	ssub.s32 $0x2, s5;
	s14 =	sor.u32 $0x1C02, s14;
	s16 =	sshrl.u32 @!p0 s16, $0x3  }
0xa: {  	s4 =	sor.u32 s1, s4;
	s30 =	sshrl.u32 s5, $0x1;
	s8 =	sshrl.u32 s8, $0x2  }
0xb: {  	s6 =	smul.u32 $0x500, s4;
	s4 =	sadd.s32 $0x16E00, s9;
	s10 =	sadd.s32 s7, s9  }
0xc: {  	s11 =	ssub.s32 s5, s30;
	s7 =	sadd.s32 s31, s2;
	s15 =	sadd.s32 s8, s2  }
0xd: {  	s7 =	sadd.s32 $0x138800, s7;
	s8 =	sadd.s32 s4, s19;
	s20 =	sadd.s32 $0x3E000, s10  }
0xe: {  	s10 =	smax.u32 s11, $0x1;
	s11 =	simm.s32 $0x2;
	s15 =	sshrl.u32 s15, $0x3  }
0xf: {  	s6 =	sadd.s32 s6, s9;
	s9 =	sadd.s32 $0x3DE00, s9;
	s19 =	sadd.s32 s19, s20  }
0x10: {  	v0 =	vimm.f32 $0.0e+00;
	s20 =	sadd.s32 @!p0 $0x27000, s20;
	s5 =	sadd.s32 $0xCE00, s6;
	s6 =	sadd.s32 $0x2E00, s6  }
.LBB2_1:
0x11: {  	[tilespmem:s3], [sflag:$0x2] =	stream.linear.gather [hbm4b:s5+s3], $0x2780, $0x38;
	[tilespmem:$0x1CC80] =	vst v63  }
0x12: {  	_ =	swait.ge [sflag:s11], $0x2780  }
0x13: {  	[sflag:s11] =	ssyncset.done $0x0  }
0x14: {  	[sflag:s11] =	ssyncadd.s32 $0xFFFFD880  }
0x15: {  	[tilespmem:s12], [sflag:$0x2] =	stream.linear.gather [hbm4b:s6+s3], $0x2780, $0x38;
	[tilespmem:$0x1CC80] =	vst v63  }
0x16: {  	_ =	swait.ge [sflag:s11], $0x2780  }
0x17: {  	[sflag:s11] =	ssyncset.done $0x0  }
0x18: {  	[sflag:s11] =	ssyncadd.s32 $0xFFFFD880  }
0x19: {  	[tilespmem:$0x5000] =	vst v0  }
0x1a: {  	[tilespmem:$0x5010] =	vst v0  }
0x1b: {  	[tilespmem:$0x5020] =	vst v0  }
0x1c: {  	[tilespmem:$0x5030] =	vst v0  }
0x1d: {  	[tilespmem:$0x5040] =	vst v0  }
0x1e: {  	[tilespmem:$0x5050] =	vst v0  }
0x1f: {  	[tilespmem:$0x5060] =	vst v0  }
0x20: {  	[tilespmem:$0x5070] =	vst v0  }
0x21: {  	[tilespmem:$0x5080] =	vst v0  }
0x22: {  	[tilespmem:$0x5090] =	vst v0  }
0x23: {  	[tilespmem:$0x50A0] =	vst v0  }
0x24: {  	[tilespmem:$0x50B0] =	vst v0  }
0x25: {  	[tilespmem:$0x50C0] =	vst v0  }
0x26: {  	[tilespmem:$0x50D0] =	vst v0  }
0x27: {  	[tilespmem:$0x50E0] =	vst v0  }
0x28: {  	[tilespmem:$0x50F0] =	vst v0  }
0x29: {  	[tilespmem:$0x5100] =	vst v0  }
0x2a: {  	[tilespmem:$0x5110] =	vst v0  }
0x2b: {  	[tilespmem:$0x5120] =	vst v0  }
0x2c: {  	[tilespmem:$0x5130] =	vst v0  }
0x2d: {  	[tilespmem:$0x5140] =	vst v0  }
0x2e: {  	[tilespmem:$0x5150] =	vst v0  }
0x2f: {  	[tilespmem:$0x5160] =	vst v0  }
0x30: {  	[tilespmem:$0x5170] =	vst v0  }
0x31: {  	[tilespmem:$0x5180] =	vst v0  }
0x32: {  	[tilespmem:$0x5190] =	vst v0  }
0x33: {  	[tilespmem:$0x51A0] =	vst v0  }
0x34: {  	[tilespmem:$0x51B0] =	vst v0  }
0x35: {  	[tilespmem:$0x51C0] =	vst v0  }
0x36: {  	[tilespmem:$0x51D0] =	vst v0  }
0x37: {  	[tilespmem:$0x51E0] =	vst v0  }
0x38: {  	[tilespmem:$0x51F0] =	vst v0  }
0x39: {  	[tilespmem:$0x5200] =	vst v0  }
0x3a: {  	[tilespmem:$0x5210] =	vst v0  }
0x3b: {  	[tilespmem:$0x5220] =	vst v0  }
0x3c: {  	[tilespmem:$0x5230] =	vst v0  }
0x3d: {  	[tilespmem:$0x5240] =	vst v0  }
0x3e: {  	[tilespmem:$0x5250] =	vst v0  }
0x3f: {  	[tilespmem:$0x5260] =	vst v0  }
0x40: {  	[tilespmem:$0x5270] =	vst v0  }
0x41: {  	[tilespmem:$0x5280] =	vst v0  }
0x42: {  	[tilespmem:$0x5290] =	vst v0  }
0x43: {  	[tilespmem:$0x52A0] =	vst v0  }
0x44: {  	[tilespmem:$0x52B0] =	vst v0  }
0x45: {  	[tilespmem:$0x52C0] =	vst v0  }
0x46: {  	[tilespmem:$0x52D0] =	vst v0  }
0x47: {  	[tilespmem:$0x52E0] =	vst v0  }
0x48: {  	[tilespmem:$0x52F0] =	vst v0  }
0x49: {  	[tilespmem:$0x5300] =	vst v0  }
0x4a: {  	[tilespmem:$0x5310] =	vst v0  }
0x4b: {  	[tilespmem:$0x5320] =	vst v0  }
0x4c: {  	[tilespmem:$0x5330] =	vst v0  }
0x4d: {  	[tilespmem:$0x5340] =	vst v0  }
0x4e: {  	[tilespmem:$0x5350] =	vst v0  }
0x4f: {  	[tilespmem:$0x5360] =	vst v0  }
0x50: {  	[tilespmem:$0x5370] =	vst v0  }
0x51: {  	[tilespmem:$0x5380] =	vst v0  }
0x52: {  	[tilespmem:$0x5390] =	vst v0  }
0x53: {  	[tilespmem:$0x53A0] =	vst v0  }
0x54: {  	[tilespmem:$0x53B0] =	vst v0  }
0x55: {  	[tilespmem:$0x53C0] =	vst v0  }
0x56: {  	[tilespmem:$0x53D0] =	vst v0  }
0x57: {  	[tilespmem:$0x53E0] =	vst v0  }
0x58: {  	[tilespmem:$0x53F0] =	vst v0  }
0x59: {  	[spmem:s7] =	stream.linear.scatter [tilespmem:s13], [sflag:$0x2], $0x400, $0x38;
	[tilespmem:$0x1CC80] =	vst v63  }
0x5a: {  	_ =	swait.ge [sflag:s11], $0x400  }
0x5b: {  	[sflag:s11] =	ssyncset.done $0x0  }
0x5c: {  	[sflag:s11] =	ssyncadd.s32 $0xFFFFFC00  }
0x5d: {  	[spmem:s15], [sflag:s14] =	dma.local [hbm:s8], $0x2700  }
0x5e: {  	_ =	swait.ge [sflag:s11], $0x2700  }
0x5f: {  	[sflag:s11] =	ssyncset.done $0x0  }
0x60: {  	s22 =	simm.s32 @!p0 $0x2;
	[sflag:s11] =	ssyncadd.s32 $0xFFFFD900  }
0x61: {  	[spmem:s16], [sflag:s14] =	dma.local @!p0 [hbm:s9], $0x100  }
0x62: {  	_ =	swait.ge @!p0 [sflag:s22], $0x100  }
0x63: {  	[sflag:s22] =	ssyncset.done @!p0 $0x0  }
0x64: {  	[sflag:s22] =	ssyncadd.s32 @!p0 $0xFFFFFF00  }
0x65: {  	s30 =	simm.s32 $0x0;
	[bflag:$0x0] =	sbarrier.arrive $0xFFFF  }
0x66: {  	[tilespmem:s13], [sflag:$0x1] =	stream.indirect.gather [hbm4b:s4+s17], $0x80, s30, s17, $0xb8;
	[tilespmem:$0x1CC80] =	vst v63  }
0x67: {  	_ =	swait.ge [sflag:s18], $0x4000  }
0x68: {  	[sflag:s18] =	ssyncset.done $0x0  }
0x69: {  	s31 =	simm.s32 $0x2800;
	[sflag:s18] =	ssyncadd.s32 $0xFFFFC000  }
0x6a: {  	[spmem:s2] =	stream.indirect.scatter.add.f32 [tilespmem:s13], [sflag:$0x2], $0x80, s31, s17, $0xb8;
	[tilespmem:$0x1CC80] =	vst v63  }
0x6b: {  	_ =	swait.ge [sflag:s11], $0x4000  }
0x6c: {  	s23 =	simm.s32 $0x400;
	s22 =	simm.s32 $0x200;
	[sflag:s11] =	ssyncset.done $0x0  }
.LBB2_2:
0x6d: {  	s24 =	sshra.s32 s22, $0x2  }
0x6e: {  	[sflag:s11] =	ssyncadd.s32 $0xFFFFC000;
	s22 =	smov.u32 s23;
	s25 =	sadd.s32 $0x200, s23  }
0x6f: {  	[tilespmem:s13], [sflag:$0x1] =	stream.indirect.gather [hbm4b:s4+s17], $0x80, s24, s17, $0xb8;
	[tilespmem:$0x1CC80] =	vst v63  }
0x70: {  	p1 =	sne.s32 s23, $0x9C00;
	_ =	swait.ge [sflag:s18], $0x4000  }
.Ltmp0:
0x71: {  	[sflag:s18] =	ssyncset.done $0x0;
	(pc) =	sbr.rel @p1 .LBB2_2-.Ltmp0, $4  }
0x72: {  	s23 =	sadd.s32 $0x2800, s24;
	[sflag:s18] =	ssyncadd.s32 $0xFFFFC000  }
0x73: {  	[spmem:s2] =	stream.indirect.scatter.add.f32 [tilespmem:s13], [sflag:$0x2], $0x80, s23, s17, $0xb8;
	[tilespmem:$0x1CC80] =	vst v63  }
0x74: {  	_ =	swait.ge [sflag:s11], $0x4000  }
0x75: {  	s23 =	smov.u32 s25;
	[sflag:s11] =	ssyncset.done $0x0  }
0x76: {  	s22 =	sshra.s32 s22, $0x2;
	[sflag:s11] =	ssyncadd.s32 $0xFFFFC000  }
0x77: {  	[tilespmem:s13], [sflag:$0x1] =	stream.indirect.gather [hbm4b:s4+s17], $0x80, s22, s17, $0xb8;
	[tilespmem:$0x1CC80] =	vst v63  }
0x78: {  	_ =	swait.ge [sflag:s18], $0x4000  }
0x79: {  	[sflag:s18] =	ssyncset.done $0x0  }
0x7a: {  	s22 =	sadd.s32 $0x2800, s22;
	[sflag:s18] =	ssyncadd.s32 $0xFFFFC000  }
0x7b: {  	[spmem:s2] =	stream.indirect.scatter.add.f32 [tilespmem:s13], [sflag:$0x2], $0x80, s22, s17, $0xb8;
	[tilespmem:$0x1CC80] =	vst v63  }
0x7c: {  	_ =	swait.ge [sflag:s11], $0x4000  }
0x7d: {  	[sflag:s11] =	ssyncset.done $0x0  }
0x7e: {  	[sflag:s11] =	ssyncadd.s32 $0xFFFFC000  }
0x7f: {  	[bflag:$0x0] =	sbarrier.arrive $0xFFFF  }
0x80: {  	[hbm:s19], [sflag:s14] =	dma.local [spmem:s15], $0x2700  }
0x81: {  	s21 =	sadd.s32 $0x1, s21;
	_ =	swait.ge [sflag:s11], $0x2700  }
0x82: {  	p1 =	sne.s32 s21, s10;
	[sflag:s11] =	ssyncset.done $0x0  }
.Ltmp1:
0x83: {  	s22 =	simm.s32 @!p0 $0x2;
	[sflag:s11] =	ssyncadd.s32 $0xFFFFD900;
	(pc) =	sbr.rel @p1 .LBB2_1-.Ltmp1, $4  }
0x84: {  	[hbm:s20], [sflag:s14] =	dma.local @!p0 [spmem:s16], $0x100  }
0x85: {  	_ =	swait.ge @!p0 [sflag:s22], $0x100  }
0x86: {  	[sflag:s22] =	ssyncset.done @!p0 $0x0  }
0x87: {  	[sflag:s22] =	ssyncadd.s32 @!p0 $0xFFFFFF00  }
0x88: {  	_ =	sfence.sel $0x180000  }
0x89: {  	[bflag:$0x0] =	sbarrier.arrive $0xFFFF  }
0x8a: {  	p0 =	sne.s32 s1, $0x0;
	_ =	strace $0x90000047  }
0x8b: {  	s0 =	sadd.s32 @!p0 $0x100000, s0;
	[bflag:$0x2] =	sbarrier.arrive $0xFFFF  }
0x8c: {  	[sflag:s0] =	ssyncadd.tile.s32 @!p0 $0x1;
	_ =	shalt  }
.Lfunc_end2:
_tile_overlayer_lowered:
.L_overlay_start_2:
0x8d: {  	(tag) =	ssettag $0x2  }
0x8e: {  	s0 =	rddreg [dreg:$0x0];
	s2 =	stileid.u32  }
0x8f: {  	s1 =	rddreg [dreg:$0x1];
	p0 =	sne.s32 s2, $0x0  }
0x90: {  	s3 =	rddreg [dreg:$0x2];
	[bflag:$0x3] =	sbarrier.arrive $0xFFFF;
	s2 =	simm.s32 @!p0 $0x1C02  }
0x91: {  	[timem:s3], [sflag:s2] =	dma.local @!p0 [hbm:s0], s1  }
0x92: {  	s0 =	simm.s32 @!p0 $0x2  }
0x93: {  	_ =	swait.ge @!p0 [sflag:s0], s1  }
0x94: {  	s1 =	ssub.s32 @!p0 $0x0, s1;
	[sflag:s0] =	ssyncset.done @!p0 $0x0  }
0x95: {  	[sflag:s0] =	ssyncadd.s32 @!p0 s1  }
0x96: {  	[bflag:$0x3] =	sbarrier.arrive $0xFFFF  }
0x97: {  	_ =	shalt  }

</sc_bundles>
